<compile_context>
chip_gen: v7x
topology: tpu7x:2x2x1
jax: 0.10.2.dev20260603
libtpu: 0.0.44.dev20260713+nightly
codegen_flags: <defaults>
</compile_context>

<pallas_src>
import functools

import jax
import jax.numpy as jnp
from jax import lax
from jax.experimental import pallas as pl
from jax.experimental.pallas import tpu as pltpu
from jax.experimental.pallas import tpu_sc as plsc

H = 64
NE = 32
NA = 16
NC = 2
NS = 16
NW = NC * NS
CH = 128
NB = 4
NB2 = 2


def _table_body(eemb_ref, aemb_ref, w_ref, b_ref, t_ref):
    we = w_ref[:, :H]
    wa = w_ref[:, H:]
    dn = (((1,), (1,)), ((), ()))
    pe = lax.dot_general(eemb_ref[...], we, dn,
                         preferred_element_type=jnp.float32,
                         precision=lax.Precision.HIGHEST)
    pa = lax.dot_general(aemb_ref[...], wa, dn,
                         preferred_element_type=jnp.float32,
                         precision=lax.Precision.HIGHEST)
    t = pe[:, None, :] + pa[None, :, :] + b_ref[0][None, None, :]
    t_ref[...] = jnp.concatenate([t, jnp.zeros_like(t)], axis=-1)


def _idx_body(e_ref, a_ref, o_ref):
    o_ref[...] = e_ref[...] * NA + a_ref[...]


def _sc_gather_body(t_hbm, idx_hbm, out_hbm, idx_v, rows128, rows64, *sems):
    sems_g, sems_s = sems[:NB], sems[NB:]
    n_ch = idx_v.shape[0]
    wid = lax.axis_index("s") * NC + lax.axis_index("c")
    ch_base = wid * n_ch
    pltpu.sync_copy(idx_hbm.at[pl.ds(ch_base, n_ch)], idx_v)
    n_rounds = n_ch // NB

    def gather(j, s):
        return pltpu.make_async_copy(t_hbm.at[idx_v.at[j]], rows128.at[s],
                                     sems_g[s])

    def store(j, sc):
        return pltpu.make_async_copy(
            rows64.at[sc], out_hbm.at[pl.ds((ch_base + j) * CH, CH)],
            sems_s[sc])

    def compact(s, sc):
        def row(r, _):
            for c in range(H // 16):
                rows64[sc, r, pl.ds(c * 16, 16)] = (
                    rows128[s, r, pl.ds(c * 16, 16)])
            return 0

        lax.fori_loop(0, CH, row, 0)

    for s in range(NB):
        gather(s, s).start()

    def round_body(m, _):
        j0 = m * NB
        for s in range(NB):
            sc = s % NB2
            gather(j0 + s, s).wait()
            if s < NB2:
                @pl.when(m > 0)
                def _():
                    store(j0 + s - NB2, sc).wait()
            else:
                store(j0 + s - NB2, sc).wait()
            compact(s, sc)
            store(j0 + s, sc).start()

            @pl.when(m + 1 < n_rounds)
            def _():
                gather(j0 + NB + s, s).start()
        return 0

    lax.fori_loop(0, n_rounds, round_body, 0)
    for sc in range(NB2):
        store(n_ch - NB2 + sc, sc).wait()


def kernel(entity, attr, entity_emb, attr_emb, W, b):
    B, L = entity.shape
    n = B * L
    assert n % (NW * CH) == 0
    n_ch = n // (NW * CH)

    t3 = pl.pallas_call(
        _table_body,
        out_shape=jax.ShapeDtypeStruct((NE, NA, 2 * H), jnp.float32),
    )(entity_emb, attr_emb, W, b.reshape(1, H))
    table = t3.reshape(NE * NA, 2 * H)

    e2 = entity.reshape(n // CH, CH)
    a2 = attr.reshape(n // CH, CH)
    rows_per_blk = n // CH // 8
    idx = pl.pallas_call(
        _idx_body,
        grid=(8,),
        in_specs=[pl.BlockSpec((rows_per_blk, CH), lambda i: (i, 0))] * 2,
        out_specs=pl.BlockSpec((rows_per_blk, CH), lambda i: (i, 0)),
        out_shape=jax.ShapeDtypeStruct((n // CH, CH), jnp.int32),
    )(e2, a2)

    mesh = plsc.VectorSubcoreMesh(core_axis_name="c", subcore_axis_name="s",
                                  num_cores=NC, num_subcores=NS)
    gather = functools.partial(
        pl.kernel,
        out_type=jax.ShapeDtypeStruct((n, H), jnp.float32),
        mesh=mesh,
        compiler_params=pltpu.CompilerParams(use_tc_tiling_on_sc=True),
        scratch_types=(
            [pltpu.VMEM((n_ch, CH), jnp.int32),
             pltpu.VMEM((NB, CH, 2 * H), jnp.float32),
             pltpu.VMEM((NB2, CH, H), jnp.float32)]
            + [pltpu.SemaphoreType.DMA] * (NB + NB2)
        ),
    )(_sc_gather_body)
    return gather(table, idx).reshape(B, L, H)

# --- scband reference (transcript-rebuilt; emitter-appended) ---
"""Pipeline reference for scband-kb-encoder-77068893160310 (READ-ONLY COPY).

The authoritative reference and input builder live on the scoring server;
editing this copy changes nothing except your own understanding.
"""

import jax, jax.numpy as jnp
import numpy as np

HIDDEN_DIM = 64
NUM_ATTRIBUTES = 16
NUM_ENTITIES = 32

def setup_inputs(seed: int = 0) -> dict:
    key = jax.random.key(seed)
    k1, k2, k3, k4, k5, k6 = jax.random.split(key, 6)
    entity = jax.random.randint(k1, (4096, 200), 0, NUM_ENTITIES, dtype=jnp.int64 if jax.config.jax_enable_x64 else jnp.int32).astype(jnp.int32)
    attr = jax.random.randint(k2, (4096, 200), 0, NUM_ATTRIBUTES, dtype=jnp.int32)
    # learned parameters
    entity_emb = jax.random.normal(k3, (NUM_ENTITIES, HIDDEN_DIM), dtype=jnp.float32)
    attr_emb = jax.random.normal(k4, (NUM_ATTRIBUTES, HIDDEN_DIM), dtype=jnp.float32)
    # nn.Linear(HIDDEN_DIM*2, HIDDEN_DIM): weight [out, in], bias [out]
    bound = 1.0 / np.sqrt(HIDDEN_DIM * 2)
    W = jax.random.uniform(k5, (HIDDEN_DIM, HIDDEN_DIM * 2), dtype=jnp.float32, minval=-bound, maxval=bound)
    b = jax.random.uniform(k6, (HIDDEN_DIM,), dtype=jnp.float32, minval=-bound, maxval=bound)
    return {"entity": entity, "attr": attr, "entity_emb": entity_emb, "attr_emb": attr_emb, "W": W, "b": b}

def reference(entity, attr, entity_emb, attr_emb, W, b):
    # encode_fact: fact_proj(cat([entity_emb(entity), attr_emb(attr)], dim=-1))
    e = jnp.take(entity_emb, entity, axis=0)   # [B, L, H]
    a = jnp.take(attr_emb, attr, axis=0)       # [B, L, H]
    h = jnp.concatenate([e, a], axis=-1)        # [B, L, 2H]
    out = h @ W.T + b                           # [B, L, H]
    return out

if __name__ == "__main__":
    import jax
    _d = setup_inputs()
    print(jax.jit(kernel)(*tuple(_d.values())))

</pallas_src>

<mosaic_0001>
#map = affine_map<(d0, d1) -> (0, 0)>
module attributes {stable_mosaic.version = 14 : i64} {
  func.func @_sc_gather_body(%arg0: i32, %arg1: i32, %arg2: memref<512x128xf32, #tpu.memory_space<hbm>>, %arg3: memref<6400x128xi32, #tpu.memory_space<hbm>>, %arg4: memref<819200x64xf32, #tpu.memory_space<hbm>>, %arg5: memref<200x128xi32, #tpu.memory_space<vmem>>, %arg6: memref<4x128x128xf32, #tpu.memory_space<vmem>>, %arg7: memref<2x128x64xf32, #tpu.memory_space<vmem>>, %arg8: memref<!tpu.dma_semaphore, #tpu.memory_space<semaphore_mem>>, %arg9: memref<!tpu.dma_semaphore, #tpu.memory_space<semaphore_mem>>, %arg10: memref<!tpu.dma_semaphore, #tpu.memory_space<semaphore_mem>>, %arg11: memref<!tpu.dma_semaphore, #tpu.memory_space<semaphore_mem>>, %arg12: memref<!tpu.dma_semaphore, #tpu.memory_space<semaphore_mem>>, %arg13: memref<!tpu.dma_semaphore, #tpu.memory_space<semaphore_mem>>) attributes {dimension_semantics = [#tpu.dimension_semantics<core_parallel>, #tpu.dimension_semantics<subcore_parallel>], iteration_bounds = array<i64: 2, 16>, scalar_prefetch = 0 : i64, scratch_operands = 9 : i64, tpu.core_type = #tpu.core_type<sc_vector_subcore>, window_params = [{transform_indices = #map}, {transform_indices = #map}, {transform_indices = #map}]} {
    %mul3A = arith.constant 2 : i32
    %mul3A_0 = arith.muli %arg1, %mul3A : i32
    %add3A = arith.addi %mul3A_0, %arg0 : i32
    %mul3A_1 = arith.constant 200 : i32
    %mul3A_2 = arith.muli %add3A, %mul3A_1 : i32
    "tpu.region"() ({
      %run_scoped3A = tpu.sem_alloc : memref<!tpu.dma_semaphore, #tpu.memory_space<semaphore_mem>>
      %dma_start3A_89 = arith.constant 0 : i32
      %dma_start3A_90 = tpu.memref_slice %arg3[%mul3A_2, %dma_start3A_89] : memref<6400x128xi32, #tpu.memory_space<hbm>> -> memref<200x128xi32, #tpu.memory_space<hbm>>
      %dma_start3A_91 = arith.constant 0 : i32
      %dma_start3A_92 = tpu.memref_slice %arg3[%mul3A_2, %dma_start3A_91] : memref<6400x128xi32, #tpu.memory_space<hbm>> -> memref<200x128xi32, #tpu.memory_space<hbm>>
      tpu.enqueue_dma source(%dma_start3A_92 : memref<200x128xi32, #tpu.memory_space<hbm>>) target(%arg5 : memref<200x128xi32, #tpu.memory_space<vmem>>) target_semaphore(%run_scoped3A : memref<!tpu.dma_semaphore, #tpu.memory_space<semaphore_mem>>)
      %dma_wait3A_93 = arith.constant 0 : i32
      %dma_wait3A_94 = tpu.memref_slice %arg3[%mul3A_2, %dma_wait3A_93] : memref<6400x128xi32, #tpu.memory_space<hbm>> -> memref<200x128xi32, #tpu.memory_space<hbm>>
      %dma_wait3A_95 = arith.constant 0 : i32
      %dma_wait3A_96 = tpu.memref_slice %arg3[%mul3A_2, %dma_wait3A_95] : memref<6400x128xi32, #tpu.memory_space<hbm>> -> memref<200x128xi32, #tpu.memory_space<hbm>>
      tpu.wait_dma2 semaphore(%run_scoped3A : memref<!tpu.dma_semaphore, #tpu.memory_space<semaphore_mem>>) src(%dma_wait3A_96 : memref<200x128xi32, #tpu.memory_space<hbm>>) dst(%arg5 : memref<200x128xi32, #tpu.memory_space<vmem>>)
      tpu.yield
    }) : () -> ()
    %dma_start3A = arith.constant 0 : i32
    %dma_start3A_3 = arith.constant 0 : i32
    %dma_start3A_4 = arith.constant 0 : i32
    %dma_start3A_5 = arith.constant 0 : i32
    %dma_start3A_6 = tpu.memref_slice %arg6[%dma_start3A_3, %dma_start3A_4, %dma_start3A_5] : memref<4x128x128xf32, #tpu.memory_space<vmem>> -> memref<1x128x128xf32, #tpu.memory_space<vmem>>
    %dma_start3A_7 = tpu.memref_squeeze %dma_start3A_6 : memref<1x128x128xf32, #tpu.memory_space<vmem>> -> memref<128x128xf32, #tpu.memory_space<vmem>>
    %dma_start3A_8 = arith.constant 0 : i32
    %dma_start3A_9 = tpu.memref_slice %arg5[%dma_start3A, %dma_start3A_8] : memref<200x128xi32, #tpu.memory_space<vmem>> -> memref<1x128xi32, #tpu.memory_space<vmem>>
    %dma_start3A_10 = tpu.memref_squeeze %dma_start3A_9 : memref<1x128xi32, #tpu.memory_space<vmem>> -> memref<128xi32, #tpu.memory_space<vmem>>
    %dma_start3A_11 = arith.constant 0 : i32
    %dma_start3A_12 = arith.constant 0 : i32
    %dma_start3A_13 = tpu.memref_slice %arg2[%dma_start3A_11, %dma_start3A_12] : memref<512x128xf32, #tpu.memory_space<hbm>> -> memref<512x128xf32, #tpu.memory_space<hbm>>
    tpu.enqueue_indirect_dma source(%dma_start3A_13 : memref<512x128xf32, #tpu.memory_space<hbm>>) target(%dma_start3A_7 : memref<128x128xf32, #tpu.memory_space<vmem>>) offsets(%dma_start3A_10 : memref<128xi32, #tpu.memory_space<vmem>>) semaphore(%arg8 : memref<!tpu.dma_semaphore, #tpu.memory_space<semaphore_mem>>)
    %dma_start3A_14 = arith.constant 1 : i32
    %dma_start3A_15 = arith.constant 1 : i32
    %dma_start3A_16 = arith.constant 0 : i32
    %dma_start3A_17 = arith.constant 0 : i32
    %dma_start3A_18 = tpu.memref_slice %arg6[%dma_start3A_15, %dma_start3A_16, %dma_start3A_17] : memref<4x128x128xf32, #tpu.memory_space<vmem>> -> memref<1x128x128xf32, #tpu.memory_space<vmem>>
    %dma_start3A_19 = tpu.memref_squeeze %dma_start3A_18 : memref<1x128x128xf32, #tpu.memory_space<vmem>> -> memref<128x128xf32, #tpu.memory_space<vmem>>
    %dma_start3A_20 = arith.constant 0 : i32
    %dma_start3A_21 = tpu.memref_slice %arg5[%dma_start3A_14, %dma_start3A_20] : memref<200x128xi32, #tpu.memory_space<vmem>> -> memref<1x128xi32, #tpu.memory_space<vmem>>
    %dma_start3A_22 = tpu.memref_squeeze %dma_start3A_21 : memref<1x128xi32, #tpu.memory_space<vmem>> -> memref<128xi32, #tpu.memory_space<vmem>>
    %dma_start3A_23 = arith.constant 0 : i32
    %dma_start3A_24 = arith.constant 0 : i32
    %dma_start3A_25 = tpu.memref_slice %arg2[%dma_start3A_23, %dma_start3A_24] : memref<512x128xf32, #tpu.memory_space<hbm>> -> memref<512x128xf32, #tpu.memory_space<hbm>>
    tpu.enqueue_indirect_dma source(%dma_start3A_25 : memref<512x128xf32, #tpu.memory_space<hbm>>) target(%dma_start3A_19 : memref<128x128xf32, #tpu.memory_space<vmem>>) offsets(%dma_start3A_22 : memref<128xi32, #tpu.memory_space<vmem>>) semaphore(%arg9 : memref<!tpu.dma_semaphore, #tpu.memory_space<semaphore_mem>>)
    %dma_start3A_26 = arith.constant 2 : i32
    %dma_start3A_27 = arith.constant 2 : i32
    %dma_start3A_28 = arith.constant 0 : i32
    %dma_start3A_29 = arith.constant 0 : i32
    %dma_start3A_30 = tpu.memref_slice %arg6[%dma_start3A_27, %dma_start3A_28, %dma_start3A_29] : memref<4x128x128xf32, #tpu.memory_space<vmem>> -> memref<1x128x128xf32, #tpu.memory_space<vmem>>
    %dma_start3A_31 = tpu.memref_squeeze %dma_start3A_30 : memref<1x128x128xf32, #tpu.memory_space<vmem>> -> memref<128x128xf32, #tpu.memory_space<vmem>>
    %dma_start3A_32 = arith.constant 0 : i32
    %dma_start3A_33 = tpu.memref_slice %arg5[%dma_start3A_26, %dma_start3A_32] : memref<200x128xi32, #tpu.memory_space<vmem>> -> memref<1x128xi32, #tpu.memory_space<vmem>>
    %dma_start3A_34 = tpu.memref_squeeze %dma_start3A_33 : memref<1x128xi32, #tpu.memory_space<vmem>> -> memref<128xi32, #tpu.memory_space<vmem>>
    %dma_start3A_35 = arith.constant 0 : i32
    %dma_start3A_36 = arith.constant 0 : i32
    %dma_start3A_37 = tpu.memref_slice %arg2[%dma_start3A_35, %dma_start3A_36] : memref<512x128xf32, #tpu.memory_space<hbm>> -> memref<512x128xf32, #tpu.memory_space<hbm>>
    tpu.enqueue_indirect_dma source(%dma_start3A_37 : memref<512x128xf32, #tpu.memory_space<hbm>>) target(%dma_start3A_31 : memref<128x128xf32, #tpu.memory_space<vmem>>) offsets(%dma_start3A_34 : memref<128xi32, #tpu.memory_space<vmem>>) semaphore(%arg10 : memref<!tpu.dma_semaphore, #tpu.memory_space<semaphore_mem>>)
    %dma_start3A_38 = arith.constant 3 : i32
    %dma_start3A_39 = arith.constant 3 : i32
    %dma_start3A_40 = arith.constant 0 : i32
    %dma_start3A_41 = arith.constant 0 : i32
    %dma_start3A_42 = tpu.memref_slice %arg6[%dma_start3A_39, %dma_start3A_40, %dma_start3A_41] : memref<4x128x128xf32, #tpu.memory_space<vmem>> -> memref<1x128x128xf32, #tpu.memory_space<vmem>>
    %dma_start3A_43 = tpu.memref_squeeze %dma_start3A_42 : memref<1x128x128xf32, #tpu.memory_space<vmem>> -> memref<128x128xf32, #tpu.memory_space<vmem>>
    %dma_start3A_44 = arith.constant 0 : i32
    %dma_start3A_45 = tpu.memref_slice %arg5[%dma_start3A_38, %dma_start3A_44] : memref<200x128xi32, #tpu.memory_space<vmem>> -> memref<1x128xi32, #tpu.memory_space<vmem>>
    %dma_start3A_46 = tpu.memref_squeeze %dma_start3A_45 : memref<1x128xi32, #tpu.memory_space<vmem>> -> memref<128xi32, #tpu.memory_space<vmem>>
    %dma_start3A_47 = arith.constant 0 : i32
    %dma_start3A_48 = arith.constant 0 : i32
    %dma_start3A_49 = tpu.memref_slice %arg2[%dma_start3A_47, %dma_start3A_48] : memref<512x128xf32, #tpu.memory_space<hbm>> -> memref<512x128xf32, #tpu.memory_space<hbm>>
    tpu.enqueue_indirect_dma source(%dma_start3A_49 : memref<512x128xf32, #tpu.memory_space<hbm>>) target(%dma_start3A_43 : memref<128x128xf32, #tpu.memory_space<vmem>>) offsets(%dma_start3A_46 : memref<128xi32, #tpu.memory_space<vmem>>) semaphore(%arg11 : memref<!tpu.dma_semaphore, #tpu.memory_space<semaphore_mem>>)
    %scan3A = arith.constant 0 : i32
    %scan3A_50 = arith.constant 0 : i32
    %scan3A_51 = arith.constant 50 : i32
    %scan3A_52 = arith.addi %scan3A_50, %scan3A_51 : i32
    %scan3A_53 = arith.constant 1 : i32
    %scan3A_54 = scf.for %scan3A_89 = %scan3A_50 to %scan3A_52 step %scan3A_53 iter_args(%scan3A_90 = %scan3A) -> (i32)  : i32 {
      %mul3A_91 = arith.constant 4 : i32
      %mul3A_92 = arith.muli %scan3A_89, %mul3A_91 : i32
      %add3A_93 = arith.constant 0 : i32
      %add3A_94 = arith.addi %mul3A_92, %add3A_93 : i32
      %dma_wait3A_95 = arith.constant 0 : i32
      %dma_wait3A_96 = arith.constant 0 : i32
      %dma_wait3A_97 = arith.constant 0 : i32
      %dma_wait3A_98 = tpu.memref_slice %arg6[%dma_wait3A_95, %dma_wait3A_96, %dma_wait3A_97] : memref<4x128x128xf32, #tpu.memory_space<vmem>> -> memref<1x128x128xf32, #tpu.memory_space<vmem>>
      %dma_wait3A_99 = tpu.memref_squeeze %dma_wait3A_98 : memref<1x128x128xf32, #tpu.memory_space<vmem>> -> memref<128x128xf32, #tpu.memory_space<vmem>>
      %dma_wait3A_100 = arith.constant 0 : i32
      %dma_wait3A_101 = tpu.memref_slice %arg5[%add3A_94, %dma_wait3A_100] : memref<200x128xi32, #tpu.memory_space<vmem>> -> memref<1x128xi32, #tpu.memory_space<vmem>>
      %dma_wait3A_102 = tpu.memref_squeeze %dma_wait3A_101 : memref<1x128xi32, #tpu.memory_space<vmem>> -> memref<128xi32, #tpu.memory_space<vmem>>
      %dma_wait3A_103 = arith.constant 0 : i32
      %dma_wait3A_104 = arith.constant 0 : i32
      %dma_wait3A_105 = tpu.memref_slice %arg2[%dma_wait3A_103, %dma_wait3A_104] : memref<512x128xf32, #tpu.memory_space<hbm>> -> memref<512x128xf32, #tpu.memory_space<hbm>>
      tpu.wait_indirect_dma semaphore(%arg8 : memref<!tpu.dma_semaphore, #tpu.memory_space<semaphore_mem>>) src(%dma_wait3A_105 : memref<512x128xf32, #tpu.memory_space<hbm>>) dst(%dma_wait3A_99 : memref<128x128xf32, #tpu.memory_space<vmem>>)
      %gt3A = arith.constant 0 : i32
      %gt3A_106 = arith.cmpi sgt, %scan3A_89, %gt3A : i32
      %convert_element_type3A = arith.extui %gt3A_106 : i1 to i32
      %cond3A = arith.constant 0 : i32
      %cond3A_107 = arith.cmpi ne, %convert_element_type3A, %cond3A : i32
      scf.if %cond3A_107 {
        %add3A_319 = arith.constant 0 : i32
        %add3A_320 = arith.addi %mul3A_92, %add3A_319 : i32
        %sub3A_321 = arith.constant 2 : i32
        %sub3A_322 = arith.subi %add3A_320, %sub3A_321 : i32
        %add3A_323 = arith.addi %mul3A_2, %sub3A_322 : i32
        %mul3A_324 = arith.constant 128 : i32
        %mul3A_325 = arith.muli %add3A_323, %mul3A_324 : i32
        %dma_wait3A_326 = arith.constant 0 : i32
        %dma_wait3A_327 = arith.constant 0 : i32
        %dma_wait3A_328 = arith.constant 0 : i32
        %dma_wait3A_329 = tpu.memref_slice %arg7[%dma_wait3A_326, %dma_wait3A_327, %dma_wait3A_328] : memref<2x128x64xf32, #tpu.memory_space<vmem>> -> memref<1x128x64xf32, #tpu.memory_space<vmem>>
        %dma_wait3A_330 = tpu.memref_squeeze %dma_wait3A_329 : memref<1x128x64xf32, #tpu.memory_space<vmem>> -> memref<128x64xf32, #tpu.memory_space<vmem>>
        %dma_wait3A_331 = arith.constant 0 : i32
        %dma_wait3A_332 = tpu.memref_slice %arg4[%mul3A_325, %dma_wait3A_331] : memref<819200x64xf32, #tpu.memory_space<hbm>> -> memref<128x64xf32, #tpu.memory_space<hbm>>
        %dma_wait3A_333 = arith.constant 0 : i32
        %dma_wait3A_334 = tpu.memref_slice %arg4[%mul3A_325, %dma_wait3A_333] : memref<819200x64xf32, #tpu.memory_space<hbm>> -> memref<128x64xf32, #tpu.memory_space<hbm>>
        %dma_wait3A_335 = arith.constant 0 : i32
        %dma_wait3A_336 = arith.constant 0 : i32
        %dma_wait3A_337 = tpu.memref_slice %arg7[%dma_wait3A_326, %dma_wait3A_335, %dma_wait3A_336] : memref<2x128x64xf32, #tpu.memory_space<vmem>> -> memref<1x128x64xf32, #tpu.memory_space<vmem>>
        %dma_wait3A_338 = tpu.memref_squeeze %dma_wait3A_337 : memref<1x128x64xf32, #tpu.memory_space<vmem>> -> memref<128x64xf32, #tpu.memory_space<vmem>>
        tpu.wait_dma2 semaphore(%arg12 : memref<!tpu.dma_semaphore, #tpu.memory_space<semaphore_mem>>) src(%dma_wait3A_338 : memref<128x64xf32, #tpu.memory_space<vmem>>) dst(%dma_wait3A_334 : memref<128x64xf32, #tpu.memory_space<hbm>>)
      } else {
      }
      %scan3A_108 = arith.constant 0 : i32
      %scan3A_109 = arith.constant 0 : i32
      %scan3A_110 = arith.constant 128 : i32
      %scan3A_111 = arith.addi %scan3A_109, %scan3A_110 : i32
      %scan3A_112 = arith.constant 1 : i32
      %scan3A_113 = scf.for %scan3A_319 = %scan3A_109 to %scan3A_111 step %scan3A_112 iter_args(%scan3A_320 = %scan3A_108) -> (i32)  : i32 {
        %get3A = arith.constant 0 : i32
        %get3A_321 = arith.index_cast %get3A : i32 to index
        %get3A_322 = arith.index_cast %scan3A_319 : i32 to index
        %get3A_323 = arith.constant 0 : index
        %get3A_324 = tpu.vector_load %arg6[%get3A_321, %get3A_322, %get3A_323] {strides = array<i32>} : memref<4x128x128xf32, #tpu.memory_space<vmem>>, vector<1x1x16xf32>,
        %get3A_325 = vector.shape_cast %get3A_324 : vector<1x1x16xf32> to vector<16xf32>
        %swap3A = arith.constant 0 : i32
        %swap3A_326 = arith.index_cast %swap3A : i32 to index
        %swap3A_327 = arith.index_cast %scan3A_319 : i32 to index
        %swap3A_328 = arith.constant 0 : index
        %swap3A_329 = tpu.vector_load %arg7[%swap3A_326, %swap3A_327, %swap3A_328] {strides = array<i32>} : memref<2x128x64xf32, #tpu.memory_space<vmem>>, vector<1x1x16xf32>,
        %swap3A_330 = vector.shape_cast %swap3A_329 : vector<1x1x16xf32> to vector<16xf32>
        %swap3A_331 = vector.shape_cast %get3A_325 : vector<16xf32> to vector<1x1x16xf32>
        tpu.vector_store %arg7[%swap3A_326, %swap3A_327, %swap3A_328], %swap3A_331 {strides = array<i32>} : memref<2x128x64xf32, #tpu.memory_space<vmem>>, vector<1x1x16xf32>,
        %get3A_332 = arith.constant 0 : i32
        %get3A_333 = arith.index_cast %get3A_332 : i32 to index
        %get3A_334 = arith.index_cast %scan3A_319 : i32 to index
        %get3A_335 = arith.constant 16 : index
        %get3A_336 = tpu.vector_load %arg6[%get3A_333, %get3A_334, %get3A_335] {strides = array<i32>} : memref<4x128x128xf32, #tpu.memory_space<vmem>>, vector<1x1x16xf32>,
        %get3A_337 = vector.shape_cast %get3A_336 : vector<1x1x16xf32> to vector<16xf32>
        %swap3A_338 = arith.constant 0 : i32
        %swap3A_339 = arith.index_cast %swap3A_338 : i32 to index
        %swap3A_340 = arith.index_cast %scan3A_319 : i32 to index
        %swap3A_341 = arith.constant 16 : index
        %swap3A_342 = tpu.vector_load %arg7[%swap3A_339, %swap3A_340, %swap3A_341] {strides = array<i32>} : memref<2x128x64xf32, #tpu.memory_space<vmem>>, vector<1x1x16xf32>,
        %swap3A_343 = vector.shape_cast %swap3A_342 : vector<1x1x16xf32> to vector<16xf32>
        %swap3A_344 = vector.shape_cast %get3A_337 : vector<16xf32> to vector<1x1x16xf32>
        tpu.vector_store %arg7[%swap3A_339, %swap3A_340, %swap3A_341], %swap3A_344 {strides = array<i32>} : memref<2x128x64xf32, #tpu.memory_space<vmem>>, vector<1x1x16xf32>,
        %get3A_345 = arith.constant 0 : i32
        %get3A_346 = arith.index_cast %get3A_345 : i32 to index
        %get3A_347 = arith.index_cast %scan3A_319 : i32 to index
        %get3A_348 = arith.constant 32 : index
        %get3A_349 = tpu.vector_load %arg6[%get3A_346, %get3A_347, %get3A_348] {strides = array<i32>} : memref<4x128x128xf32, #tpu.memory_space<vmem>>, vector<1x1x16xf32>,
        %get3A_350 = vector.shape_cast %get3A_349 : vector<1x1x16xf32> to vector<16xf32>
        %swap3A_351 = arith.constant 0 : i32
        %swap3A_352 = arith.index_cast %swap3A_351 : i32 to index
        %swap3A_353 = arith.index_cast %scan3A_319 : i32 to index
        %swap3A_354 = arith.constant 32 : index
        %swap3A_355 = tpu.vector_load %arg7[%swap3A_352, %swap3A_353, %swap3A_354] {strides = array<i32>} : memref<2x128x64xf32, #tpu.memory_space<vmem>>, vector<1x1x16xf32>,
        %swap3A_356 = vector.shape_cast %swap3A_355 : vector<1x1x16xf32> to vector<16xf32>
        %swap3A_357 = vector.shape_cast %get3A_350 : vector<16xf32> to vector<1x1x16xf32>
        tpu.vector_store %arg7[%swap3A_352, %swap3A_353, %swap3A_354], %swap3A_357 {strides = array<i32>} : memref<2x128x64xf32, #tpu.memory_space<vmem>>, vector<1x1x16xf32>,
        %get3A_358 = arith.constant 0 : i32
        %get3A_359 = arith.index_cast %get3A_358 : i32 to index
        %get3A_360 = arith.index_cast %scan3A_319 : i32 to index
        %get3A_361 = arith.constant 48 : index
        %get3A_362 = tpu.vector_load %arg6[%get3A_359, %get3A_360, %get3A_361] {strides = array<i32>} : memref<4x128x128xf32, #tpu.memory_space<vmem>>, vector<1x1x16xf32>,
        %get3A_363 = vector.shape_cast %get3A_362 : vector<1x1x16xf32> to vector<16xf32>
        %swap3A_364 = arith.constant 0 : i32
        %swap3A_365 = arith.index_cast %swap3A_364 : i32 to index
        %swap3A_366 = arith.index_cast %scan3A_319 : i32 to index
        %swap3A_367 = arith.constant 48 : index
        %swap3A_368 = tpu.vector_load %arg7[%swap3A_365, %swap3A_366, %swap3A_367] {strides = array<i32>} : memref<2x128x64xf32, #tpu.memory_space<vmem>>, vector<1x1x16xf32>,
        %swap3A_369 = vector.shape_cast %swap3A_368 : vector<1x1x16xf32> to vector<16xf32>
        %swap3A_370 = vector.shape_cast %get3A_363 : vector<16xf32> to vector<1x1x16xf32>
        tpu.vector_store %arg7[%swap3A_365, %swap3A_366, %swap3A_367], %swap3A_370 {strides = array<i32>} : memref<2x128x64xf32, #tpu.memory_space<vmem>>, vector<1x1x16xf32>,
        %scan3A_371 = arith.constant 0 : i32
        scf.yield %scan3A_371 : i32
      }
      %scan3A_114 = arith.constant 128 : i32
      %add3A_115 = arith.constant 0 : i32
      %add3A_116 = arith.addi %mul3A_92, %add3A_115 : i32
      %add3A_117 = arith.addi %mul3A_2, %add3A_116 : i32
      %mul3A_118 = arith.constant 128 : i32
      %mul3A_119 = arith.muli %add3A_117, %mul3A_118 : i32
      %dma_start3A_120 = arith.constant 0 : i32
      %dma_start3A_121 = arith.constant 0 : i32
      %dma_start3A_122 = arith.constant 0 : i32
      %dma_start3A_123 = tpu.memref_slice %arg7[%dma_start3A_120, %dma_start3A_121, %dma_start3A_122] : memref<2x128x64xf32, #tpu.memory_space<vmem>> -> memref<1x128x64xf32, #tpu.memory_space<vmem>>
      %dma_start3A_124 = tpu.memref_squeeze %dma_start3A_123 : memref<1x128x64xf32, #tpu.memory_space<vmem>> -> memref<128x64xf32, #tpu.memory_space<vmem>>
      %dma_start3A_125 = arith.constant 0 : i32
      %dma_start3A_126 = tpu.memref_slice %arg4[%mul3A_119, %dma_start3A_125] : memref<819200x64xf32, #tpu.memory_space<hbm>> -> memref<128x64xf32, #tpu.memory_space<hbm>>
      %dma_start3A_127 = arith.constant 0 : i32
      %dma_start3A_128 = tpu.memref_slice %arg4[%mul3A_119, %dma_start3A_127] : memref<819200x64xf32, #tpu.memory_space<hbm>> -> memref<128x64xf32, #tpu.memory_space<hbm>>
      %dma_start3A_129 = arith.constant 0 : i32
      %dma_start3A_130 = arith.constant 0 : i32
      %dma_start3A_131 = tpu.memref_slice %arg7[%dma_start3A_120, %dma_start3A_129, %dma_start3A_130] : memref<2x128x64xf32, #tpu.memory_space<vmem>> -> memref<1x128x64xf32, #tpu.memory_space<vmem>>
      %dma_start3A_132 = tpu.memref_squeeze %dma_start3A_131 : memref<1x128x64xf32, #tpu.memory_space<vmem>> -> memref<128x64xf32, #tpu.memory_space<vmem>>
      tpu.enqueue_dma source(%dma_start3A_132 : memref<128x64xf32, #tpu.memory_space<vmem>>) target(%dma_start3A_128 : memref<128x64xf32, #tpu.memory_space<hbm>>) target_semaphore(%arg12 : memref<!tpu.dma_semaphore, #tpu.memory_space<semaphore_mem>>)
      %add3A_133 = arith.constant 1 : i32
      %add3A_134 = arith.addi %scan3A_89, %add3A_133 : i32
      %lt3A = arith.constant 50 : i32
      %lt3A_135 = arith.cmpi slt, %add3A_134, %lt3A : i32
      %convert_element_type3A_136 = arith.extui %lt3A_135 : i1 to i32
      %cond3A_137 = arith.constant 0 : i32
      %cond3A_138 = arith.cmpi ne, %convert_element_type3A_136, %cond3A_137 : i32
      scf.if %cond3A_138 {
        %add3A_319 = arith.constant 4 : i32
        %add3A_320 = arith.addi %mul3A_92, %add3A_319 : i32
        %add3A_321 = arith.constant 0 : i32
        %add3A_322 = arith.addi %add3A_320, %add3A_321 : i32
        %dma_start3A_323 = arith.constant 0 : i32
        %dma_start3A_324 = arith.constant 0 : i32
        %dma_start3A_325 = arith.constant 0 : i32
        %dma_start3A_326 = tpu.memref_slice %arg6[%dma_start3A_323, %dma_start3A_324, %dma_start3A_325] : memref<4x128x128xf32, #tpu.memory_space<vmem>> -> memref<1x128x128xf32, #tpu.memory_space<vmem>>
        %dma_start3A_327 = tpu.memref_squeeze %dma_start3A_326 : memref<1x128x128xf32, #tpu.memory_space<vmem>> -> memref<128x128xf32, #tpu.memory_space<vmem>>
        %dma_start3A_328 = arith.constant 0 : i32
        %dma_start3A_329 = tpu.memref_slice %arg5[%add3A_322, %dma_start3A_328] : memref<200x128xi32, #tpu.memory_space<vmem>> -> memref<1x128xi32, #tpu.memory_space<vmem>>
        %dma_start3A_330 = tpu.memref_squeeze %dma_start3A_329 : memref<1x128xi32, #tpu.memory_space<vmem>> -> memref<128xi32, #tpu.memory_space<vmem>>
        %dma_start3A_331 = arith.constant 0 : i32
        %dma_start3A_332 = arith.constant 0 : i32
        %dma_start3A_333 = tpu.memref_slice %arg2[%dma_start3A_331, %dma_start3A_332] : memref<512x128xf32, #tpu.memory_space<hbm>> -> memref<512x128xf32, #tpu.memory_space<hbm>>
        tpu.enqueue_indirect_dma source(%dma_start3A_333 : memref<512x128xf32, #tpu.memory_space<hbm>>) target(%dma_start3A_327 : memref<128x128xf32, #tpu.memory_space<vmem>>) offsets(%dma_start3A_330 : memref<128xi32, #tpu.memory_space<vmem>>) semaphore(%arg8 : memref<!tpu.dma_semaphore, #tpu.memory_space<semaphore_mem>>)
      } else {
      }
      %add3A_139 = arith.constant 1 : i32
      %add3A_140 = arith.addi %mul3A_92, %add3A_139 : i32
      %dma_wait3A_141 = arith.constant 1 : i32
      %dma_wait3A_142 = arith.constant 0 : i32
      %dma_wait3A_143 = arith.constant 0 : i32
      %dma_wait3A_144 = tpu.memref_slice %arg6[%dma_wait3A_141, %dma_wait3A_142, %dma_wait3A_143] : memref<4x128x128xf32, #tpu.memory_space<vmem>> -> memref<1x128x128xf32, #tpu.memory_space<vmem>>
      %dma_wait3A_145 = tpu.memref_squeeze %dma_wait3A_144 : memref<1x128x128xf32, #tpu.memory_space<vmem>> -> memref<128x128xf32, #tpu.memory_space<vmem>>
      %dma_wait3A_146 = arith.constant 0 : i32
      %dma_wait3A_147 = tpu.memref_slice %arg5[%add3A_140, %dma_wait3A_146] : memref<200x128xi32, #tpu.memory_space<vmem>> -> memref<1x128xi32, #tpu.memory_space<vmem>>
      %dma_wait3A_148 = tpu.memref_squeeze %dma_wait3A_147 : memref<1x128xi32, #tpu.memory_space<vmem>> -> memref<128xi32, #tpu.memory_space<vmem>>
      %dma_wait3A_149 = arith.constant 0 : i32
      %dma_wait3A_150 = arith.constant 0 : i32
      %dma_wait3A_151 = tpu.memref_slice %arg2[%dma_wait3A_149, %dma_wait3A_150] : memref<512x128xf32, #tpu.memory_space<hbm>> -> memref<512x128xf32, #tpu.memory_space<hbm>>
      tpu.wait_indirect_dma semaphore(%arg9 : memref<!tpu.dma_semaphore, #tpu.memory_space<semaphore_mem>>) src(%dma_wait3A_151 : memref<512x128xf32, #tpu.memory_space<hbm>>) dst(%dma_wait3A_145 : memref<128x128xf32, #tpu.memory_space<vmem>>)
      %gt3A_152 = arith.constant 0 : i32
      %gt3A_153 = arith.cmpi sgt, %scan3A_89, %gt3A_152 : i32
      %convert_element_type3A_154 = arith.extui %gt3A_153 : i1 to i32
      %cond3A_155 = arith.constant 0 : i32
      %cond3A_156 = arith.cmpi ne, %convert_element_type3A_154, %cond3A_155 : i32
      scf.if %cond3A_156 {
        %add3A_319 = arith.constant 1 : i32
        %add3A_320 = arith.addi %mul3A_92, %add3A_319 : i32
        %sub3A_321 = arith.constant 2 : i32
        %sub3A_322 = arith.subi %add3A_320, %sub3A_321 : i32
        %add3A_323 = arith.addi %mul3A_2, %sub3A_322 : i32
        %mul3A_324 = arith.constant 128 : i32
        %mul3A_325 = arith.muli %add3A_323, %mul3A_324 : i32
        %dma_wait3A_326 = arith.constant 1 : i32
        %dma_wait3A_327 = arith.constant 0 : i32
        %dma_wait3A_328 = arith.constant 0 : i32
        %dma_wait3A_329 = tpu.memref_slice %arg7[%dma_wait3A_326, %dma_wait3A_327, %dma_wait3A_328] : memref<2x128x64xf32, #tpu.memory_space<vmem>> -> memref<1x128x64xf32, #tpu.memory_space<vmem>>
        %dma_wait3A_330 = tpu.memref_squeeze %dma_wait3A_329 : memref<1x128x64xf32, #tpu.memory_space<vmem>> -> memref<128x64xf32, #tpu.memory_space<vmem>>
        %dma_wait3A_331 = arith.constant 0 : i32
        %dma_wait3A_332 = tpu.memref_slice %arg4[%mul3A_325, %dma_wait3A_331] : memref<819200x64xf32, #tpu.memory_space<hbm>> -> memref<128x64xf32, #tpu.memory_space<hbm>>
        %dma_wait3A_333 = arith.constant 0 : i32
        %dma_wait3A_334 = tpu.memref_slice %arg4[%mul3A_325, %dma_wait3A_333] : memref<819200x64xf32, #tpu.memory_space<hbm>> -> memref<128x64xf32, #tpu.memory_space<hbm>>
        %dma_wait3A_335 = arith.constant 0 : i32
        %dma_wait3A_336 = arith.constant 0 : i32
        %dma_wait3A_337 = tpu.memref_slice %arg7[%dma_wait3A_326, %dma_wait3A_335, %dma_wait3A_336] : memref<2x128x64xf32, #tpu.memory_space<vmem>> -> memref<1x128x64xf32, #tpu.memory_space<vmem>>
        %dma_wait3A_338 = tpu.memref_squeeze %dma_wait3A_337 : memref<1x128x64xf32, #tpu.memory_space<vmem>> -> memref<128x64xf32, #tpu.memory_space<vmem>>
        tpu.wait_dma2 semaphore(%arg13 : memref<!tpu.dma_semaphore, #tpu.memory_space<semaphore_mem>>) src(%dma_wait3A_338 : memref<128x64xf32, #tpu.memory_space<vmem>>) dst(%dma_wait3A_334 : memref<128x64xf32, #tpu.memory_space<hbm>>)
      } else {
      }
      %scan3A_157 = arith.constant 0 : i32
      %scan3A_158 = arith.constant 0 : i32
      %scan3A_159 = arith.constant 128 : i32
      %scan3A_160 = arith.addi %scan3A_158, %scan3A_159 : i32
      %scan3A_161 = arith.constant 1 : i32
      %scan3A_162 = scf.for %scan3A_319 = %scan3A_158 to %scan3A_160 step %scan3A_161 iter_args(%scan3A_320 = %scan3A_157) -> (i32)  : i32 {
        %get3A = arith.constant 1 : i32
        %get3A_321 = arith.index_cast %get3A : i32 to index
        %get3A_322 = arith.index_cast %scan3A_319 : i32 to index
        %get3A_323 = arith.constant 0 : index
        %get3A_324 = tpu.vector_load %arg6[%get3A_321, %get3A_322, %get3A_323] {strides = array<i32>} : memref<4x128x128xf32, #tpu.memory_space<vmem>>, vector<1x1x16xf32>,
        %get3A_325 = vector.shape_cast %get3A_324 : vector<1x1x16xf32> to vector<16xf32>
        %swap3A = arith.constant 1 : i32
        %swap3A_326 = arith.index_cast %swap3A : i32 to index
        %swap3A_327 = arith.index_cast %scan3A_319 : i32 to index
        %swap3A_328 = arith.constant 0 : index
        %swap3A_329 = tpu.vector_load %arg7[%swap3A_326, %swap3A_327, %swap3A_328] {strides = array<i32>} : memref<2x128x64xf32, #tpu.memory_space<vmem>>, vector<1x1x16xf32>,
        %swap3A_330 = vector.shape_cast %swap3A_329 : vector<1x1x16xf32> to vector<16xf32>
        %swap3A_331 = vector.shape_cast %get3A_325 : vector<16xf32> to vector<1x1x16xf32>
        tpu.vector_store %arg7[%swap3A_326, %swap3A_327, %swap3A_328], %swap3A_331 {strides = array<i32>} : memref<2x128x64xf32, #tpu.memory_space<vmem>>, vector<1x1x16xf32>,
        %get3A_332 = arith.constant 1 : i32
        %get3A_333 = arith.index_cast %get3A_332 : i32 to index
        %get3A_334 = arith.index_cast %scan3A_319 : i32 to index
        %get3A_335 = arith.constant 16 : index
        %get3A_336 = tpu.vector_load %arg6[%get3A_333, %get3A_334, %get3A_335] {strides = array<i32>} : memref<4x128x128xf32, #tpu.memory_space<vmem>>, vector<1x1x16xf32>,
        %get3A_337 = vector.shape_cast %get3A_336 : vector<1x1x16xf32> to vector<16xf32>
        %swap3A_338 = arith.constant 1 : i32
        %swap3A_339 = arith.index_cast %swap3A_338 : i32 to index
        %swap3A_340 = arith.index_cast %scan3A_319 : i32 to index
        %swap3A_341 = arith.constant 16 : index
        %swap3A_342 = tpu.vector_load %arg7[%swap3A_339, %swap3A_340, %swap3A_341] {strides = array<i32>} : memref<2x128x64xf32, #tpu.memory_space<vmem>>, vector<1x1x16xf32>,
        %swap3A_343 = vector.shape_cast %swap3A_342 : vector<1x1x16xf32> to vector<16xf32>
        %swap3A_344 = vector.shape_cast %get3A_337 : vector<16xf32> to vector<1x1x16xf32>
        tpu.vector_store %arg7[%swap3A_339, %swap3A_340, %swap3A_341], %swap3A_344 {strides = array<i32>} : memref<2x128x64xf32, #tpu.memory_space<vmem>>, vector<1x1x16xf32>,
        %get3A_345 = arith.constant 1 : i32
        %get3A_346 = arith.index_cast %get3A_345 : i32 to index
        %get3A_347 = arith.index_cast %scan3A_319 : i32 to index
        %get3A_348 = arith.constant 32 : index
        %get3A_349 = tpu.vector_load %arg6[%get3A_346, %get3A_347, %get3A_348] {strides = array<i32>} : memref<4x128x128xf32, #tpu.memory_space<vmem>>, vector<1x1x16xf32>,
        %get3A_350 = vector.shape_cast %get3A_349 : vector<1x1x16xf32> to vector<16xf32>
        %swap3A_351 = arith.constant 1 : i32
        %swap3A_352 = arith.index_cast %swap3A_351 : i32 to index
        %swap3A_353 = arith.index_cast %scan3A_319 : i32 to index
        %swap3A_354 = arith.constant 32 : index
        %swap3A_355 = tpu.vector_load %arg7[%swap3A_352, %swap3A_353, %swap3A_354] {strides = array<i32>} : memref<2x128x64xf32, #tpu.memory_space<vmem>>, vector<1x1x16xf32>,
        %swap3A_356 = vector.shape_cast %swap3A_355 : vector<1x1x16xf32> to vector<16xf32>
        %swap3A_357 = vector.shape_cast %get3A_350 : vector<16xf32> to vector<1x1x16xf32>
        tpu.vector_store %arg7[%swap3A_352, %swap3A_353, %swap3A_354], %swap3A_357 {strides = array<i32>} : memref<2x128x64xf32, #tpu.memory_space<vmem>>, vector<1x1x16xf32>,
        %get3A_358 = arith.constant 1 : i32
        %get3A_359 = arith.index_cast %get3A_358 : i32 to index
        %get3A_360 = arith.index_cast %scan3A_319 : i32 to index
        %get3A_361 = arith.constant 48 : index
        %get3A_362 = tpu.vector_load %arg6[%get3A_359, %get3A_360, %get3A_361] {strides = array<i32>} : memref<4x128x128xf32, #tpu.memory_space<vmem>>, vector<1x1x16xf32>,
        %get3A_363 = vector.shape_cast %get3A_362 : vector<1x1x16xf32> to vector<16xf32>
        %swap3A_364 = arith.constant 1 : i32
        %swap3A_365 = arith.index_cast %swap3A_364 : i32 to index
        %swap3A_366 = arith.index_cast %scan3A_319 : i32 to index
        %swap3A_367 = arith.constant 48 : index
        %swap3A_368 = tpu.vector_load %arg7[%swap3A_365, %swap3A_366, %swap3A_367] {strides = array<i32>} : memref<2x128x64xf32, #tpu.memory_space<vmem>>, vector<1x1x16xf32>,
        %swap3A_369 = vector.shape_cast %swap3A_368 : vector<1x1x16xf32> to vector<16xf32>
        %swap3A_370 = vector.shape_cast %get3A_363 : vector<16xf32> to vector<1x1x16xf32>
        tpu.vector_store %arg7[%swap3A_365, %swap3A_366, %swap3A_367], %swap3A_370 {strides = array<i32>} : memref<2x128x64xf32, #tpu.memory_space<vmem>>, vector<1x1x16xf32>,
        %scan3A_371 = arith.constant 0 : i32
        scf.yield %scan3A_371 : i32
      }
      %scan3A_163 = arith.constant 128 : i32
      %add3A_164 = arith.constant 1 : i32
      %add3A_165 = arith.addi %mul3A_92, %add3A_164 : i32
      %add3A_166 = arith.addi %mul3A_2, %add3A_165 : i32
      %mul3A_167 = arith.constant 128 : i32
      %mul3A_168 = arith.muli %add3A_166, %mul3A_167 : i32
      %dma_start3A_169 = arith.constant 1 : i32
      %dma_start3A_170 = arith.constant 0 : i32
      %dma_start3A_171 = arith.constant 0 : i32
      %dma_start3A_172 = tpu.memref_slice %arg7[%dma_start3A_169, %dma_start3A_170, %dma_start3A_171] : memref<2x128x64xf32, #tpu.memory_space<vmem>> -> memref<1x128x64xf32, #tpu.memory_space<vmem>>
      %dma_start3A_173 = tpu.memref_squeeze %dma_start3A_172 : memref<1x128x64xf32, #tpu.memory_space<vmem>> -> memref<128x64xf32, #tpu.memory_space<vmem>>
      %dma_start3A_174 = arith.constant 0 : i32
      %dma_start3A_175 = tpu.memref_slice %arg4[%mul3A_168, %dma_start3A_174] : memref<819200x64xf32, #tpu.memory_space<hbm>> -> memref<128x64xf32, #tpu.memory_space<hbm>>
      %dma_start3A_176 = arith.constant 0 : i32
      %dma_start3A_177 = tpu.memref_slice %arg4[%mul3A_168, %dma_start3A_176] : memref<819200x64xf32, #tpu.memory_space<hbm>> -> memref<128x64xf32, #tpu.memory_space<hbm>>
      %dma_start3A_178 = arith.constant 0 : i32
      %dma_start3A_179 = arith.constant 0 : i32
      %dma_start3A_180 = tpu.memref_slice %arg7[%dma_start3A_169, %dma_start3A_178, %dma_start3A_179] : memref<2x128x64xf32, #tpu.memory_space<vmem>> -> memref<1x128x64xf32, #tpu.memory_space<vmem>>
      %dma_start3A_181 = tpu.memref_squeeze %dma_start3A_180 : memref<1x128x64xf32, #tpu.memory_space<vmem>> -> memref<128x64xf32, #tpu.memory_space<vmem>>
      tpu.enqueue_dma source(%dma_start3A_181 : memref<128x64xf32, #tpu.memory_space<vmem>>) target(%dma_start3A_177 : memref<128x64xf32, #tpu.memory_space<hbm>>) target_semaphore(%arg13 : memref<!tpu.dma_semaphore, #tpu.memory_space<semaphore_mem>>)
      %add3A_182 = arith.constant 1 : i32
      %add3A_183 = arith.addi %scan3A_89, %add3A_182 : i32
      %lt3A_184 = arith.constant 50 : i32
      %lt3A_185 = arith.cmpi slt, %add3A_183, %lt3A_184 : i32
      %convert_element_type3A_186 = arith.extui %lt3A_185 : i1 to i32
      %cond3A_187 = arith.constant 0 : i32
      %cond3A_188 = arith.cmpi ne, %convert_element_type3A_186, %cond3A_187 : i32
      scf.if %cond3A_188 {
        %add3A_319 = arith.constant 4 : i32
        %add3A_320 = arith.addi %mul3A_92, %add3A_319 : i32
        %add3A_321 = arith.constant 1 : i32
        %add3A_322 = arith.addi %add3A_320, %add3A_321 : i32
        %dma_start3A_323 = arith.constant 1 : i32
        %dma_start3A_324 = arith.constant 0 : i32
        %dma_start3A_325 = arith.constant 0 : i32
        %dma_start3A_326 = tpu.memref_slice %arg6[%dma_start3A_323, %dma_start3A_324, %dma_start3A_325] : memref<4x128x128xf32, #tpu.memory_space<vmem>> -> memref<1x128x128xf32, #tpu.memory_space<vmem>>
        %dma_start3A_327 = tpu.memref_squeeze %dma_start3A_326 : memref<1x128x128xf32, #tpu.memory_space<vmem>> -> memref<128x128xf32, #tpu.memory_space<vmem>>
        %dma_start3A_328 = arith.constant 0 : i32
        %dma_start3A_329 = tpu.memref_slice %arg5[%add3A_322, %dma_start3A_328] : memref<200x128xi32, #tpu.memory_space<vmem>> -> memref<1x128xi32, #tpu.memory_space<vmem>>
        %dma_start3A_330 = tpu.memref_squeeze %dma_start3A_329 : memref<1x128xi32, #tpu.memory_space<vmem>> -> memref<128xi32, #tpu.memory_space<vmem>>
        %dma_start3A_331 = arith.constant 0 : i32
        %dma_start3A_332 = arith.constant 0 : i32
        %dma_start3A_333 = tpu.memref_slice %arg2[%dma_start3A_331, %dma_start3A_332] : memref<512x128xf32, #tpu.memory_space<hbm>> -> memref<512x128xf32, #tpu.memory_space<hbm>>
        tpu.enqueue_indirect_dma source(%dma_start3A_333 : memref<512x128xf32, #tpu.memory_space<hbm>>) target(%dma_start3A_327 : memref<128x128xf32, #tpu.memory_space<vmem>>) offsets(%dma_start3A_330 : memref<128xi32, #tpu.memory_space<vmem>>) semaphore(%arg9 : memref<!tpu.dma_semaphore, #tpu.memory_space<semaphore_mem>>)
      } else {
      }
      %add3A_189 = arith.constant 2 : i32
      %add3A_190 = arith.addi %mul3A_92, %add3A_189 : i32
      %dma_wait3A_191 = arith.constant 2 : i32
      %dma_wait3A_192 = arith.constant 0 : i32
      %dma_wait3A_193 = arith.constant 0 : i32
      %dma_wait3A_194 = tpu.memref_slice %arg6[%dma_wait3A_191, %dma_wait3A_192, %dma_wait3A_193] : memref<4x128x128xf32, #tpu.memory_space<vmem>> -> memref<1x128x128xf32, #tpu.memory_space<vmem>>
      %dma_wait3A_195 = tpu.memref_squeeze %dma_wait3A_194 : memref<1x128x128xf32, #tpu.memory_space<vmem>> -> memref<128x128xf32, #tpu.memory_space<vmem>>
      %dma_wait3A_196 = arith.constant 0 : i32
      %dma_wait3A_197 = tpu.memref_slice %arg5[%add3A_190, %dma_wait3A_196] : memref<200x128xi32, #tpu.memory_space<vmem>> -> memref<1x128xi32, #tpu.memory_space<vmem>>
      %dma_wait3A_198 = tpu.memref_squeeze %dma_wait3A_197 : memref<1x128xi32, #tpu.memory_space<vmem>> -> memref<128xi32, #tpu.memory_space<vmem>>
      %dma_wait3A_199 = arith.constant 0 : i32
      %dma_wait3A_200 = arith.constant 0 : i32
      %dma_wait3A_201 = tpu.memref_slice %arg2[%dma_wait3A_199, %dma_wait3A_200] : memref<512x128xf32, #tpu.memory_space<hbm>> -> memref<512x128xf32, #tpu.memory_space<hbm>>
      tpu.wait_indirect_dma semaphore(%arg10 : memref<!tpu.dma_semaphore, #tpu.memory_space<semaphore_mem>>) src(%dma_wait3A_201 : memref<512x128xf32, #tpu.memory_space<hbm>>) dst(%dma_wait3A_195 : memref<128x128xf32, #tpu.memory_space<vmem>>)
      %add3A_202 = arith.constant 2 : i32
      %add3A_203 = arith.addi %mul3A_92, %add3A_202 : i32
      %sub3A = arith.constant 2 : i32
      %sub3A_204 = arith.subi %add3A_203, %sub3A : i32
      %add3A_205 = arith.addi %mul3A_2, %sub3A_204 : i32
      %mul3A_206 = arith.constant 128 : i32
      %mul3A_207 = arith.muli %add3A_205, %mul3A_206 : i32
      %dma_wait3A_208 = arith.constant 0 : i32
      %dma_wait3A_209 = arith.constant 0 : i32
      %dma_wait3A_210 = arith.constant 0 : i32
      %dma_wait3A_211 = tpu.memref_slice %arg7[%dma_wait3A_208, %dma_wait3A_209, %dma_wait3A_210] : memref<2x128x64xf32, #tpu.memory_space<vmem>> -> memref<1x128x64xf32, #tpu.memory_space<vmem>>
      %dma_wait3A_212 = tpu.memref_squeeze %dma_wait3A_211 : memref<1x128x64xf32, #tpu.memory_space<vmem>> -> memref<128x64xf32, #tpu.memory_space<vmem>>
      %dma_wait3A_213 = arith.constant 0 : i32
      %dma_wait3A_214 = tpu.memref_slice %arg4[%mul3A_207, %dma_wait3A_213] : memref<819200x64xf32, #tpu.memory_space<hbm>> -> memref<128x64xf32, #tpu.memory_space<hbm>>
      %dma_wait3A_215 = arith.constant 0 : i32
      %dma_wait3A_216 = tpu.memref_slice %arg4[%mul3A_207, %dma_wait3A_215] : memref<819200x64xf32, #tpu.memory_space<hbm>> -> memref<128x64xf32, #tpu.memory_space<hbm>>
      %dma_wait3A_217 = arith.constant 0 : i32
      %dma_wait3A_218 = arith.constant 0 : i32
      %dma_wait3A_219 = tpu.memref_slice %arg7[%dma_wait3A_208, %dma_wait3A_217, %dma_wait3A_218] : memref<2x128x64xf32, #tpu.memory_space<vmem>> -> memref<1x128x64xf32, #tpu.memory_space<vmem>>
      %dma_wait3A_220 = tpu.memref_squeeze %dma_wait3A_219 : memref<1x128x64xf32, #tpu.memory_space<vmem>> -> memref<128x64xf32, #tpu.memory_space<vmem>>
      tpu.wait_dma2 semaphore(%arg12 : memref<!tpu.dma_semaphore, #tpu.memory_space<semaphore_mem>>) src(%dma_wait3A_220 : memref<128x64xf32, #tpu.memory_space<vmem>>) dst(%dma_wait3A_216 : memref<128x64xf32, #tpu.memory_space<hbm>>)
      %scan3A_221 = arith.constant 0 : i32
      %scan3A_222 = arith.constant 0 : i32
      %scan3A_223 = arith.constant 128 : i32
      %scan3A_224 = arith.addi %scan3A_222, %scan3A_223 : i32
      %scan3A_225 = arith.constant 1 : i32
      %scan3A_226 = scf.for %scan3A_319 = %scan3A_222 to %scan3A_224 step %scan3A_225 iter_args(%scan3A_320 = %scan3A_221) -> (i32)  : i32 {
        %get3A = arith.constant 2 : i32
        %get3A_321 = arith.index_cast %get3A : i32 to index
        %get3A_322 = arith.index_cast %scan3A_319 : i32 to index
        %get3A_323 = arith.constant 0 : index
        %get3A_324 = tpu.vector_load %arg6[%get3A_321, %get3A_322, %get3A_323] {strides = array<i32>} : memref<4x128x128xf32, #tpu.memory_space<vmem>>, vector<1x1x16xf32>,
        %get3A_325 = vector.shape_cast %get3A_324 : vector<1x1x16xf32> to vector<16xf32>
        %swap3A = arith.constant 0 : i32
        %swap3A_326 = arith.index_cast %swap3A : i32 to index
        %swap3A_327 = arith.index_cast %scan3A_319 : i32 to index
        %swap3A_328 = arith.constant 0 : index
        %swap3A_329 = tpu.vector_load %arg7[%swap3A_326, %swap3A_327, %swap3A_328] {strides = array<i32>} : memref<2x128x64xf32, #tpu.memory_space<vmem>>, vector<1x1x16xf32>,
        %swap3A_330 = vector.shape_cast %swap3A_329 : vector<1x1x16xf32> to vector<16xf32>
        %swap3A_331 = vector.shape_cast %get3A_325 : vector<16xf32> to vector<1x1x16xf32>
        tpu.vector_store %arg7[%swap3A_326, %swap3A_327, %swap3A_328], %swap3A_331 {strides = array<i32>} : memref<2x128x64xf32, #tpu.memory_space<vmem>>, vector<1x1x16xf32>,
        %get3A_332 = arith.constant 2 : i32
        %get3A_333 = arith.index_cast %get3A_332 : i32 to index
        %get3A_334 = arith.index_cast %scan3A_319 : i32 to index
        %get3A_335 = arith.constant 16 : index
        %get3A_336 = tpu.vector_load %arg6[%get3A_333, %get3A_334, %get3A_335] {strides = array<i32>} : memref<4x128x128xf32, #tpu.memory_space<vmem>>, vector<1x1x16xf32>,
        %get3A_337 = vector.shape_cast %get3A_336 : vector<1x1x16xf32> to vector<16xf32>
        %swap3A_338 = arith.constant 0 : i32
        %swap3A_339 = arith.index_cast %swap3A_338 : i32 to index
        %swap3A_340 = arith.index_cast %scan3A_319 : i32 to index
        %swap3A_341 = arith.constant 16 : index
        %swap3A_342 = tpu.vector_load %arg7[%swap3A_339, %swap3A_340, %swap3A_341] {strides = array<i32>} : memref<2x128x64xf32, #tpu.memory_space<vmem>>, vector<1x1x16xf32>,
        %swap3A_343 = vector.shape_cast %swap3A_342 : vector<1x1x16xf32> to vector<16xf32>
        %swap3A_344 = vector.shape_cast %get3A_337 : vector<16xf32> to vector<1x1x16xf32>
        tpu.vector_store %arg7[%swap3A_339, %swap3A_340, %swap3A_341], %swap3A_344 {strides = array<i32>} : memref<2x128x64xf32, #tpu.memory_space<vmem>>, vector<1x1x16xf32>,
        %get3A_345 = arith.constant 2 : i32
        %get3A_346 = arith.index_cast %get3A_345 : i32 to index
        %get3A_347 = arith.index_cast %scan3A_319 : i32 to index
        %get3A_348 = arith.constant 32 : index
        %get3A_349 = tpu.vector_load %arg6[%get3A_346, %get3A_347, %get3A_348] {strides = array<i32>} : memref<4x128x128xf32, #tpu.memory_space<vmem>>, vector<1x1x16xf32>,
        %get3A_350 = vector.shape_cast %get3A_349 : vector<1x1x16xf32> to vector<16xf32>
        %swap3A_351 = arith.constant 0 : i32
        %swap3A_352 = arith.index_cast %swap3A_351 : i32 to index
        %swap3A_353 = arith.index_cast %scan3A_319 : i32 to index
        %swap3A_354 = arith.constant 32 : index
        %swap3A_355 = tpu.vector_load %arg7[%swap3A_352, %swap3A_353, %swap3A_354] {strides = array<i32>} : memref<2x128x64xf32, #tpu.memory_space<vmem>>, vector<1x1x16xf32>,
        %swap3A_356 = vector.shape_cast %swap3A_355 : vector<1x1x16xf32> to vector<16xf32>
        %swap3A_357 = vector.shape_cast %get3A_350 : vector<16xf32> to vector<1x1x16xf32>
        tpu.vector_store %arg7[%swap3A_352, %swap3A_353, %swap3A_354], %swap3A_357 {strides = array<i32>} : memref<2x128x64xf32, #tpu.memory_space<vmem>>, vector<1x1x16xf32>,
        %get3A_358 = arith.constant 2 : i32
        %get3A_359 = arith.index_cast %get3A_358 : i32 to index
        %get3A_360 = arith.index_cast %scan3A_319 : i32 to index
        %get3A_361 = arith.constant 48 : index
        %get3A_362 = tpu.vector_load %arg6[%get3A_359, %get3A_360, %get3A_361] {strides = array<i32>} : memref<4x128x128xf32, #tpu.memory_space<vmem>>, vector<1x1x16xf32>,
        %get3A_363 = vector.shape_cast %get3A_362 : vector<1x1x16xf32> to vector<16xf32>
        %swap3A_364 = arith.constant 0 : i32
        %swap3A_365 = arith.index_cast %swap3A_364 : i32 to index
        %swap3A_366 = arith.index_cast %scan3A_319 : i32 to index
        %swap3A_367 = arith.constant 48 : index
        %swap3A_368 = tpu.vector_load %arg7[%swap3A_365, %swap3A_366, %swap3A_367] {strides = array<i32>} : memref<2x128x64xf32, #tpu.memory_space<vmem>>, vector<1x1x16xf32>,
        %swap3A_369 = vector.shape_cast %swap3A_368 : vector<1x1x16xf32> to vector<16xf32>
        %swap3A_370 = vector.shape_cast %get3A_363 : vector<16xf32> to vector<1x1x16xf32>
        tpu.vector_store %arg7[%swap3A_365, %swap3A_366, %swap3A_367], %swap3A_370 {strides = array<i32>} : memref<2x128x64xf32, #tpu.memory_space<vmem>>, vector<1x1x16xf32>,
        %scan3A_371 = arith.constant 0 : i32
        scf.yield %scan3A_371 : i32
      }
      %scan3A_227 = arith.constant 128 : i32
      %add3A_228 = arith.constant 2 : i32
      %add3A_229 = arith.addi %mul3A_92, %add3A_228 : i32
      %add3A_230 = arith.addi %mul3A_2, %add3A_229 : i32
      %mul3A_231 = arith.constant 128 : i32
      %mul3A_232 = arith.muli %add3A_230, %mul3A_231 : i32
      %dma_start3A_233 = arith.constant 0 : i32
      %dma_start3A_234 = arith.constant 0 : i32
      %dma_start3A_235 = arith.constant 0 : i32
      %dma_start3A_236 = tpu.memref_slice %arg7[%dma_start3A_233, %dma_start3A_234, %dma_start3A_235] : memref<2x128x64xf32, #tpu.memory_space<vmem>> -> memref<1x128x64xf32, #tpu.memory_space<vmem>>
      %dma_start3A_237 = tpu.memref_squeeze %dma_start3A_236 : memref<1x128x64xf32, #tpu.memory_space<vmem>> -> memref<128x64xf32, #tpu.memory_space<vmem>>
      %dma_start3A_238 = arith.constant 0 : i32
      %dma_start3A_239 = tpu.memref_slice %arg4[%mul3A_232, %dma_start3A_238] : memref<819200x64xf32, #tpu.memory_space<hbm>> -> memref<128x64xf32, #tpu.memory_space<hbm>>
      %dma_start3A_240 = arith.constant 0 : i32
      %dma_start3A_241 = tpu.memref_slice %arg4[%mul3A_232, %dma_start3A_240] : memref<819200x64xf32, #tpu.memory_space<hbm>> -> memref<128x64xf32, #tpu.memory_space<hbm>>
      %dma_start3A_242 = arith.constant 0 : i32
      %dma_start3A_243 = arith.constant 0 : i32
      %dma_start3A_244 = tpu.memref_slice %arg7[%dma_start3A_233, %dma_start3A_242, %dma_start3A_243] : memref<2x128x64xf32, #tpu.memory_space<vmem>> -> memref<1x128x64xf32, #tpu.memory_space<vmem>>
      %dma_start3A_245 = tpu.memref_squeeze %dma_start3A_244 : memref<1x128x64xf32, #tpu.memory_space<vmem>> -> memref<128x64xf32, #tpu.memory_space<vmem>>
      tpu.enqueue_dma source(%dma_start3A_245 : memref<128x64xf32, #tpu.memory_space<vmem>>) target(%dma_start3A_241 : memref<128x64xf32, #tpu.memory_space<hbm>>) target_semaphore(%arg12 : memref<!tpu.dma_semaphore, #tpu.memory_space<semaphore_mem>>)
      %add3A_246 = arith.constant 1 : i32
      %add3A_247 = arith.addi %scan3A_89, %add3A_246 : i32
      %lt3A_248 = arith.constant 50 : i32
      %lt3A_249 = arith.cmpi slt, %add3A_247, %lt3A_248 : i32
      %convert_element_type3A_250 = arith.extui %lt3A_249 : i1 to i32
      %cond3A_251 = arith.constant 0 : i32
      %cond3A_252 = arith.cmpi ne, %convert_element_type3A_250, %cond3A_251 : i32
      scf.if %cond3A_252 {
        %add3A_319 = arith.constant 4 : i32
        %add3A_320 = arith.addi %mul3A_92, %add3A_319 : i32
        %add3A_321 = arith.constant 2 : i32
        %add3A_322 = arith.addi %add3A_320, %add3A_321 : i32
        %dma_start3A_323 = arith.constant 2 : i32
        %dma_start3A_324 = arith.constant 0 : i32
        %dma_start3A_325 = arith.constant 0 : i32
        %dma_start3A_326 = tpu.memref_slice %arg6[%dma_start3A_323, %dma_start3A_324, %dma_start3A_325] : memref<4x128x128xf32, #tpu.memory_space<vmem>> -> memref<1x128x128xf32, #tpu.memory_space<vmem>>
        %dma_start3A_327 = tpu.memref_squeeze %dma_start3A_326 : memref<1x128x128xf32, #tpu.memory_space<vmem>> -> memref<128x128xf32, #tpu.memory_space<vmem>>
        %dma_start3A_328 = arith.constant 0 : i32
        %dma_start3A_329 = tpu.memref_slice %arg5[%add3A_322, %dma_start3A_328] : memref<200x128xi32, #tpu.memory_space<vmem>> -> memref<1x128xi32, #tpu.memory_space<vmem>>
        %dma_start3A_330 = tpu.memref_squeeze %dma_start3A_329 : memref<1x128xi32, #tpu.memory_space<vmem>> -> memref<128xi32, #tpu.memory_space<vmem>>
        %dma_start3A_331 = arith.constant 0 : i32
        %dma_start3A_332 = arith.constant 0 : i32
        %dma_start3A_333 = tpu.memref_slice %arg2[%dma_start3A_331, %dma_start3A_332] : memref<512x128xf32, #tpu.memory_space<hbm>> -> memref<512x128xf32, #tpu.memory_space<hbm>>
        tpu.enqueue_indirect_dma source(%dma_start3A_333 : memref<512x128xf32, #tpu.memory_space<hbm>>) target(%dma_start3A_327 : memref<128x128xf32, #tpu.memory_space<vmem>>) offsets(%dma_start3A_330 : memref<128xi32, #tpu.memory_space<vmem>>) semaphore(%arg10 : memref<!tpu.dma_semaphore, #tpu.memory_space<semaphore_mem>>)
      } else {
      }
      %add3A_253 = arith.constant 3 : i32
      %add3A_254 = arith.addi %mul3A_92, %add3A_253 : i32
      %dma_wait3A_255 = arith.constant 3 : i32
      %dma_wait3A_256 = arith.constant 0 : i32
      %dma_wait3A_257 = arith.constant 0 : i32
      %dma_wait3A_258 = tpu.memref_slice %arg6[%dma_wait3A_255, %dma_wait3A_256, %dma_wait3A_257] : memref<4x128x128xf32, #tpu.memory_space<vmem>> -> memref<1x128x128xf32, #tpu.memory_space<vmem>>
      %dma_wait3A_259 = tpu.memref_squeeze %dma_wait3A_258 : memref<1x128x128xf32, #tpu.memory_space<vmem>> -> memref<128x128xf32, #tpu.memory_space<vmem>>
      %dma_wait3A_260 = arith.constant 0 : i32
      %dma_wait3A_261 = tpu.memref_slice %arg5[%add3A_254, %dma_wait3A_260] : memref<200x128xi32, #tpu.memory_space<vmem>> -> memref<1x128xi32, #tpu.memory_space<vmem>>
      %dma_wait3A_262 = tpu.memref_squeeze %dma_wait3A_261 : memref<1x128xi32, #tpu.memory_space<vmem>> -> memref<128xi32, #tpu.memory_space<vmem>>
      %dma_wait3A_263 = arith.constant 0 : i32
      %dma_wait3A_264 = arith.constant 0 : i32
      %dma_wait3A_265 = tpu.memref_slice %arg2[%dma_wait3A_263, %dma_wait3A_264] : memref<512x128xf32, #tpu.memory_space<hbm>> -> memref<512x128xf32, #tpu.memory_space<hbm>>
      tpu.wait_indirect_dma semaphore(%arg11 : memref<!tpu.dma_semaphore, #tpu.memory_space<semaphore_mem>>) src(%dma_wait3A_265 : memref<512x128xf32, #tpu.memory_space<hbm>>) dst(%dma_wait3A_259 : memref<128x128xf32, #tpu.memory_space<vmem>>)
      %add3A_266 = arith.constant 3 : i32
      %add3A_267 = arith.addi %mul3A_92, %add3A_266 : i32
      %sub3A_268 = arith.constant 2 : i32
      %sub3A_269 = arith.subi %add3A_267, %sub3A_268 : i32
      %add3A_270 = arith.addi %mul3A_2, %sub3A_269 : i32
      %mul3A_271 = arith.constant 128 : i32
      %mul3A_272 = arith.muli %add3A_270, %mul3A_271 : i32
      %dma_wait3A_273 = arith.constant 1 : i32
      %dma_wait3A_274 = arith.constant 0 : i32
      %dma_wait3A_275 = arith.constant 0 : i32
      %dma_wait3A_276 = tpu.memref_slice %arg7[%dma_wait3A_273, %dma_wait3A_274, %dma_wait3A_275] : memref<2x128x64xf32, #tpu.memory_space<vmem>> -> memref<1x128x64xf32, #tpu.memory_space<vmem>>
      %dma_wait3A_277 = tpu.memref_squeeze %dma_wait3A_276 : memref<1x128x64xf32, #tpu.memory_space<vmem>> -> memref<128x64xf32, #tpu.memory_space<vmem>>
      %dma_wait3A_278 = arith.constant 0 : i32
      %dma_wait3A_279 = tpu.memref_slice %arg4[%mul3A_272, %dma_wait3A_278] : memref<819200x64xf32, #tpu.memory_space<hbm>> -> memref<128x64xf32, #tpu.memory_space<hbm>>
      %dma_wait3A_280 = arith.constant 0 : i32
      %dma_wait3A_281 = tpu.memref_slice %arg4[%mul3A_272, %dma_wait3A_280] : memref<819200x64xf32, #tpu.memory_space<hbm>> -> memref<128x64xf32, #tpu.memory_space<hbm>>
      %dma_wait3A_282 = arith.constant 0 : i32
      %dma_wait3A_283 = arith.constant 0 : i32
      %dma_wait3A_284 = tpu.memref_slice %arg7[%dma_wait3A_273, %dma_wait3A_282, %dma_wait3A_283] : memref<2x128x64xf32, #tpu.memory_space<vmem>> -> memref<1x128x64xf32, #tpu.memory_space<vmem>>
      %dma_wait3A_285 = tpu.memref_squeeze %dma_wait3A_284 : memref<1x128x64xf32, #tpu.memory_space<vmem>> -> memref<128x64xf32, #tpu.memory_space<vmem>>
      tpu.wait_dma2 semaphore(%arg13 : memref<!tpu.dma_semaphore, #tpu.memory_space<semaphore_mem>>) src(%dma_wait3A_285 : memref<128x64xf32, #tpu.memory_space<vmem>>) dst(%dma_wait3A_281 : memref<128x64xf32, #tpu.memory_space<hbm>>)
      %scan3A_286 = arith.constant 0 : i32
      %scan3A_287 = arith.constant 0 : i32
      %scan3A_288 = arith.constant 128 : i32
      %scan3A_289 = arith.addi %scan3A_287, %scan3A_288 : i32
      %scan3A_290 = arith.constant 1 : i32
      %scan3A_291 = scf.for %scan3A_319 = %scan3A_287 to %scan3A_289 step %scan3A_290 iter_args(%scan3A_320 = %scan3A_286) -> (i32)  : i32 {
        %get3A = arith.constant 3 : i32
        %get3A_321 = arith.index_cast %get3A : i32 to index
        %get3A_322 = arith.index_cast %scan3A_319 : i32 to index
        %get3A_323 = arith.constant 0 : index
        %get3A_324 = tpu.vector_load %arg6[%get3A_321, %get3A_322, %get3A_323] {strides = array<i32>} : memref<4x128x128xf32, #tpu.memory_space<vmem>>, vector<1x1x16xf32>,
        %get3A_325 = vector.shape_cast %get3A_324 : vector<1x1x16xf32> to vector<16xf32>
        %swap3A = arith.constant 1 : i32
        %swap3A_326 = arith.index_cast %swap3A : i32 to index
        %swap3A_327 = arith.index_cast %scan3A_319 : i32 to index
        %swap3A_328 = arith.constant 0 : index
        %swap3A_329 = tpu.vector_load %arg7[%swap3A_326, %swap3A_327, %swap3A_328] {strides = array<i32>} : memref<2x128x64xf32, #tpu.memory_space<vmem>>, vector<1x1x16xf32>,
        %swap3A_330 = vector.shape_cast %swap3A_329 : vector<1x1x16xf32> to vector<16xf32>
        %swap3A_331 = vector.shape_cast %get3A_325 : vector<16xf32> to vector<1x1x16xf32>
        tpu.vector_store %arg7[%swap3A_326, %swap3A_327, %swap3A_328], %swap3A_331 {strides = array<i32>} : memref<2x128x64xf32, #tpu.memory_space<vmem>>, vector<1x1x16xf32>,
        %get3A_332 = arith.constant 3 : i32
        %get3A_333 = arith.index_cast %get3A_332 : i32 to index
        %get3A_334 = arith.index_cast %scan3A_319 : i32 to index
        %get3A_335 = arith.constant 16 : index
        %get3A_336 = tpu.vector_load %arg6[%get3A_333, %get3A_334, %get3A_335] {strides = array<i32>} : memref<4x128x128xf32, #tpu.memory_space<vmem>>, vector<1x1x16xf32>,
        %get3A_337 = vector.shape_cast %get3A_336 : vector<1x1x16xf32> to vector<16xf32>
        %swap3A_338 = arith.constant 1 : i32
        %swap3A_339 = arith.index_cast %swap3A_338 : i32 to index
        %swap3A_340 = arith.index_cast %scan3A_319 : i32 to index
        %swap3A_341 = arith.constant 16 : index
        %swap3A_342 = tpu.vector_load %arg7[%swap3A_339, %swap3A_340, %swap3A_341] {strides = array<i32>} : memref<2x128x64xf32, #tpu.memory_space<vmem>>, vector<1x1x16xf32>,
        %swap3A_343 = vector.shape_cast %swap3A_342 : vector<1x1x16xf32> to vector<16xf32>
        %swap3A_344 = vector.shape_cast %get3A_337 : vector<16xf32> to vector<1x1x16xf32>
        tpu.vector_store %arg7[%swap3A_339, %swap3A_340, %swap3A_341], %swap3A_344 {strides = array<i32>} : memref<2x128x64xf32, #tpu.memory_space<vmem>>, vector<1x1x16xf32>,
        %get3A_345 = arith.constant 3 : i32
        %get3A_346 = arith.index_cast %get3A_345 : i32 to index
        %get3A_347 = arith.index_cast %scan3A_319 : i32 to index
        %get3A_348 = arith.constant 32 : index
        %get3A_349 = tpu.vector_load %arg6[%get3A_346, %get3A_347, %get3A_348] {strides = array<i32>} : memref<4x128x128xf32, #tpu.memory_space<vmem>>, vector<1x1x16xf32>,
        %get3A_350 = vector.shape_cast %get3A_349 : vector<1x1x16xf32> to vector<16xf32>
        %swap3A_351 = arith.constant 1 : i32
        %swap3A_352 = arith.index_cast %swap3A_351 : i32 to index
        %swap3A_353 = arith.index_cast %scan3A_319 : i32 to index
        %swap3A_354 = arith.constant 32 : index
        %swap3A_355 = tpu.vector_load %arg7[%swap3A_352, %swap3A_353, %swap3A_354] {strides = array<i32>} : memref<2x128x64xf32, #tpu.memory_space<vmem>>, vector<1x1x16xf32>,
        %swap3A_356 = vector.shape_cast %swap3A_355 : vector<1x1x16xf32> to vector<16xf32>
        %swap3A_357 = vector.shape_cast %get3A_350 : vector<16xf32> to vector<1x1x16xf32>
        tpu.vector_store %arg7[%swap3A_352, %swap3A_353, %swap3A_354], %swap3A_357 {strides = array<i32>} : memref<2x128x64xf32, #tpu.memory_space<vmem>>, vector<1x1x16xf32>,
        %get3A_358 = arith.constant 3 : i32
        %get3A_359 = arith.index_cast %get3A_358 : i32 to index
        %get3A_360 = arith.index_cast %scan3A_319 : i32 to index
        %get3A_361 = arith.constant 48 : index
        %get3A_362 = tpu.vector_load %arg6[%get3A_359, %get3A_360, %get3A_361] {strides = array<i32>} : memref<4x128x128xf32, #tpu.memory_space<vmem>>, vector<1x1x16xf32>,
        %get3A_363 = vector.shape_cast %get3A_362 : vector<1x1x16xf32> to vector<16xf32>
        %swap3A_364 = arith.constant 1 : i32
        %swap3A_365 = arith.index_cast %swap3A_364 : i32 to index
        %swap3A_366 = arith.index_cast %scan3A_319 : i32 to index
        %swap3A_367 = arith.constant 48 : index
        %swap3A_368 = tpu.vector_load %arg7[%swap3A_365, %swap3A_366, %swap3A_367] {strides = array<i32>} : memref<2x128x64xf32, #tpu.memory_space<vmem>>, vector<1x1x16xf32>,
        %swap3A_369 = vector.shape_cast %swap3A_368 : vector<1x1x16xf32> to vector<16xf32>
        %swap3A_370 = vector.shape_cast %get3A_363 : vector<16xf32> to vector<1x1x16xf32>
        tpu.vector_store %arg7[%swap3A_365, %swap3A_366, %swap3A_367], %swap3A_370 {strides = array<i32>} : memref<2x128x64xf32, #tpu.memory_space<vmem>>, vector<1x1x16xf32>,
        %scan3A_371 = arith.constant 0 : i32
        scf.yield %scan3A_371 : i32
      }
      %scan3A_292 = arith.constant 128 : i32
      %add3A_293 = arith.constant 3 : i32
      %add3A_294 = arith.addi %mul3A_92, %add3A_293 : i32
      %add3A_295 = arith.addi %mul3A_2, %add3A_294 : i32
      %mul3A_296 = arith.constant 128 : i32
      %mul3A_297 = arith.muli %add3A_295, %mul3A_296 : i32
      %dma_start3A_298 = arith.constant 1 : i32
      %dma_start3A_299 = arith.constant 0 : i32
      %dma_start3A_300 = arith.constant 0 : i32
      %dma_start3A_301 = tpu.memref_slice %arg7[%dma_start3A_298, %dma_start3A_299, %dma_start3A_300] : memref<2x128x64xf32, #tpu.memory_space<vmem>> -> memref<1x128x64xf32, #tpu.memory_space<vmem>>
      %dma_start3A_302 = tpu.memref_squeeze %dma_start3A_301 : memref<1x128x64xf32, #tpu.memory_space<vmem>> -> memref<128x64xf32, #tpu.memory_space<vmem>>
      %dma_start3A_303 = arith.constant 0 : i32
      %dma_start3A_304 = tpu.memref_slice %arg4[%mul3A_297, %dma_start3A_303] : memref<819200x64xf32, #tpu.memory_space<hbm>> -> memref<128x64xf32, #tpu.memory_space<hbm>>
      %dma_start3A_305 = arith.constant 0 : i32
      %dma_start3A_306 = tpu.memref_slice %arg4[%mul3A_297, %dma_start3A_305] : memref<819200x64xf32, #tpu.memory_space<hbm>> -> memref<128x64xf32, #tpu.memory_space<hbm>>
      %dma_start3A_307 = arith.constant 0 : i32
      %dma_start3A_308 = arith.constant 0 : i32
      %dma_start3A_309 = tpu.memref_slice %arg7[%dma_start3A_298, %dma_start3A_307, %dma_start3A_308] : memref<2x128x64xf32, #tpu.memory_space<vmem>> -> memref<1x128x64xf32, #tpu.memory_space<vmem>>
      %dma_start3A_310 = tpu.memref_squeeze %dma_start3A_309 : memref<1x128x64xf32, #tpu.memory_space<vmem>> -> memref<128x64xf32, #tpu.memory_space<vmem>>
      tpu.enqueue_dma source(%dma_start3A_310 : memref<128x64xf32, #tpu.memory_space<vmem>>) target(%dma_start3A_306 : memref<128x64xf32, #tpu.memory_space<hbm>>) target_semaphore(%arg13 : memref<!tpu.dma_semaphore, #tpu.memory_space<semaphore_mem>>)
      %add3A_311 = arith.constant 1 : i32
      %add3A_312 = arith.addi %scan3A_89, %add3A_311 : i32
      %lt3A_313 = arith.constant 50 : i32
      %lt3A_314 = arith.cmpi slt, %add3A_312, %lt3A_313 : i32
      %convert_element_type3A_315 = arith.extui %lt3A_314 : i1 to i32
      %cond3A_316 = arith.constant 0 : i32
      %cond3A_317 = arith.cmpi ne, %convert_element_type3A_315, %cond3A_316 : i32
      scf.if %cond3A_317 {
        %add3A_319 = arith.constant 4 : i32
        %add3A_320 = arith.addi %mul3A_92, %add3A_319 : i32
        %add3A_321 = arith.constant 3 : i32
        %add3A_322 = arith.addi %add3A_320, %add3A_321 : i32
        %dma_start3A_323 = arith.constant 3 : i32
        %dma_start3A_324 = arith.constant 0 : i32
        %dma_start3A_325 = arith.constant 0 : i32
        %dma_start3A_326 = tpu.memref_slice %arg6[%dma_start3A_323, %dma_start3A_324, %dma_start3A_325] : memref<4x128x128xf32, #tpu.memory_space<vmem>> -> memref<1x128x128xf32, #tpu.memory_space<vmem>>
        %dma_start3A_327 = tpu.memref_squeeze %dma_start3A_326 : memref<1x128x128xf32, #tpu.memory_space<vmem>> -> memref<128x128xf32, #tpu.memory_space<vmem>>
        %dma_start3A_328 = arith.constant 0 : i32
        %dma_start3A_329 = tpu.memref_slice %arg5[%add3A_322, %dma_start3A_328] : memref<200x128xi32, #tpu.memory_space<vmem>> -> memref<1x128xi32, #tpu.memory_space<vmem>>
        %dma_start3A_330 = tpu.memref_squeeze %dma_start3A_329 : memref<1x128xi32, #tpu.memory_space<vmem>> -> memref<128xi32, #tpu.memory_space<vmem>>
        %dma_start3A_331 = arith.constant 0 : i32
        %dma_start3A_332 = arith.constant 0 : i32
        %dma_start3A_333 = tpu.memref_slice %arg2[%dma_start3A_331, %dma_start3A_332] : memref<512x128xf32, #tpu.memory_space<hbm>> -> memref<512x128xf32, #tpu.memory_space<hbm>>
        tpu.enqueue_indirect_dma source(%dma_start3A_333 : memref<512x128xf32, #tpu.memory_space<hbm>>) target(%dma_start3A_327 : memref<128x128xf32, #tpu.memory_space<vmem>>) offsets(%dma_start3A_330 : memref<128xi32, #tpu.memory_space<vmem>>) semaphore(%arg11 : memref<!tpu.dma_semaphore, #tpu.memory_space<semaphore_mem>>)
      } else {
      }
      %scan3A_318 = arith.constant 0 : i32
      scf.yield %scan3A_318 : i32
    }
    %scan3A_55 = arith.constant 50 : i32
    %add3A_56 = arith.constant 198 : i32
    %add3A_57 = arith.addi %mul3A_2, %add3A_56 : i32
    %mul3A_58 = arith.constant 128 : i32
    %mul3A_59 = arith.muli %add3A_57, %mul3A_58 : i32
    %dma_wait3A = arith.constant 0 : i32
    %dma_wait3A_60 = arith.constant 0 : i32
    %dma_wait3A_61 = arith.constant 0 : i32
    %dma_wait3A_62 = tpu.memref_slice %arg7[%dma_wait3A, %dma_wait3A_60, %dma_wait3A_61] : memref<2x128x64xf32, #tpu.memory_space<vmem>> -> memref<1x128x64xf32, #tpu.memory_space<vmem>>
    %dma_wait3A_63 = tpu.memref_squeeze %dma_wait3A_62 : memref<1x128x64xf32, #tpu.memory_space<vmem>> -> memref<128x64xf32, #tpu.memory_space<vmem>>
    %dma_wait3A_64 = arith.constant 0 : i32
    %dma_wait3A_65 = tpu.memref_slice %arg4[%mul3A_59, %dma_wait3A_64] : memref<819200x64xf32, #tpu.memory_space<hbm>> -> memref<128x64xf32, #tpu.memory_space<hbm>>
    %dma_wait3A_66 = arith.constant 0 : i32
    %dma_wait3A_67 = tpu.memref_slice %arg4[%mul3A_59, %dma_wait3A_66] : memref<819200x64xf32, #tpu.memory_space<hbm>> -> memref<128x64xf32, #tpu.memory_space<hbm>>
    %dma_wait3A_68 = arith.constant 0 : i32
    %dma_wait3A_69 = arith.constant 0 : i32
    %dma_wait3A_70 = tpu.memref_slice %arg7[%dma_wait3A, %dma_wait3A_68, %dma_wait3A_69] : memref<2x128x64xf32, #tpu.memory_space<vmem>> -> memref<1x128x64xf32, #tpu.memory_space<vmem>>
    %dma_wait3A_71 = tpu.memref_squeeze %dma_wait3A_70 : memref<1x128x64xf32, #tpu.memory_space<vmem>> -> memref<128x64xf32, #tpu.memory_space<vmem>>
    tpu.wait_dma2 semaphore(%arg12 : memref<!tpu.dma_semaphore, #tpu.memory_space<semaphore_mem>>) src(%dma_wait3A_71 : memref<128x64xf32, #tpu.memory_space<vmem>>) dst(%dma_wait3A_67 : memref<128x64xf32, #tpu.memory_space<hbm>>)
    %add3A_72 = arith.constant 199 : i32
    %add3A_73 = arith.addi %mul3A_2, %add3A_72 : i32
    %mul3A_74 = arith.constant 128 : i32
    %mul3A_75 = arith.muli %add3A_73, %mul3A_74 : i32
    %dma_wait3A_76 = arith.constant 1 : i32
    %dma_wait3A_77 = arith.constant 0 : i32
    %dma_wait3A_78 = arith.constant 0 : i32
    %dma_wait3A_79 = tpu.memref_slice %arg7[%dma_wait3A_76, %dma_wait3A_77, %dma_wait3A_78] : memref<2x128x64xf32, #tpu.memory_space<vmem>> -> memref<1x128x64xf32, #tpu.memory_space<vmem>>
    %dma_wait3A_80 = tpu.memref_squeeze %dma_wait3A_79 : memref<1x128x64xf32, #tpu.memory_space<vmem>> -> memref<128x64xf32, #tpu.memory_space<vmem>>
    %dma_wait3A_81 = arith.constant 0 : i32
    %dma_wait3A_82 = tpu.memref_slice %arg4[%mul3A_75, %dma_wait3A_81] : memref<819200x64xf32, #tpu.memory_space<hbm>> -> memref<128x64xf32, #tpu.memory_space<hbm>>
    %dma_wait3A_83 = arith.constant 0 : i32
    %dma_wait3A_84 = tpu.memref_slice %arg4[%mul3A_75, %dma_wait3A_83] : memref<819200x64xf32, #tpu.memory_space<hbm>> -> memref<128x64xf32, #tpu.memory_space<hbm>>
    %dma_wait3A_85 = arith.constant 0 : i32
    %dma_wait3A_86 = arith.constant 0 : i32
    %dma_wait3A_87 = tpu.memref_slice %arg7[%dma_wait3A_76, %dma_wait3A_85, %dma_wait3A_86] : memref<2x128x64xf32, #tpu.memory_space<vmem>> -> memref<1x128x64xf32, #tpu.memory_space<vmem>>
    %dma_wait3A_88 = tpu.memref_squeeze %dma_wait3A_87 : memref<1x128x64xf32, #tpu.memory_space<vmem>> -> memref<128x64xf32, #tpu.memory_space<vmem>>
    tpu.wait_dma2 semaphore(%arg13 : memref<!tpu.dma_semaphore, #tpu.memory_space<semaphore_mem>>) src(%dma_wait3A_88 : memref<128x64xf32, #tpu.memory_space<vmem>>) dst(%dma_wait3A_84 : memref<128x64xf32, #tpu.memory_space<hbm>>)
    return
  }
}

module attributes {stable_mosaic.version = 14 : i64} {
  func.func @_idx_body(%arg0: i32, %arg1: memref<800x128xi32, #tpu.memory_space<vmem>>, %arg2: memref<800x128xi32, #tpu.memory_space<vmem>>, %arg3: memref<800x128xi32, #tpu.memory_space<vmem>>) attributes {dimension_semantics = [#tpu.dimension_semantics<arbitrary>], iteration_bounds = array<i64: 8>, scalar_prefetch = 0 : i64, scratch_operands = 0 : i64, tpu.core_type = #tpu.core_type<tc>, window_params = [{transform_indices = @transform_0, window_bounds = array<i64: 800, 128>}, {transform_indices = @transform_1, window_bounds = array<i64: 800, 128>}, {transform_indices = @transform_2, window_bounds = array<i64: 800, 128>}]} {
    %get3A = arith.constant 0 : index
    %get3A_0 = arith.constant 0 : index
    %get3A_1 = vector.load %arg1[%get3A, %get3A_0] : memref<800x128xi32, #tpu.memory_space<vmem>>, vector<800x128xi32>
    %mul3A = arith.constant 16 : i32
    %mul3A_2 = vector.broadcast %mul3A : i32 to vector<800x128xi32>
    %mul3A_3 = arith.muli %get3A_1, %mul3A_2 : vector<800x128xi32>
    %get3A_4 = arith.constant 0 : index
    %get3A_5 = arith.constant 0 : index
    %get3A_6 = vector.load %arg2[%get3A_4, %get3A_5] : memref<800x128xi32, #tpu.memory_space<vmem>>, vector<800x128xi32>
    %add3A = arith.addi %mul3A_3, %get3A_6 : vector<800x128xi32>
    %swap3A = arith.constant 0 : index
    %swap3A_7 = arith.constant 0 : index
    %swap3A_8 = vector.load %arg3[%swap3A, %swap3A_7] : memref<800x128xi32, #tpu.memory_space<vmem>>, vector<800x128xi32>
    tpu.vector_store %arg3[%swap3A, %swap3A_7], %add3A {strides = array<i32>} : memref<800x128xi32, #tpu.memory_space<vmem>>, vector<800x128xi32>,
    return
  }
  func.func @transform_0(%arg0: i32) -> (i32, i32) {
    %c0_i32 = arith.constant 0 : i32
    %c0_i32_0 = arith.constant 0 : i32
    return %arg0, %c0_i32 : i32, i32
  }
  func.func @transform_1(%arg0: i32) -> (i32, i32) {
    %c0_i32 = arith.constant 0 : i32
    %c0_i32_0 = arith.constant 0 : i32
    return %arg0, %c0_i32 : i32, i32
  }
  func.func @transform_2(%arg0: i32) -> (i32, i32) {
    %c0_i32 = arith.constant 0 : i32
    %c0_i32_0 = arith.constant 0 : i32
    return %arg0, %c0_i32 : i32, i32
  }
}

module attributes {stable_mosaic.version = 14 : i64} {
  func.func @_table_body(%arg0: memref<32x64xf32, #tpu.memory_space<vmem>>, %arg1: memref<16x64xf32, #tpu.memory_space<vmem>>, %arg2: memref<64x128xf32, #tpu.memory_space<vmem>>, %arg3: memref<1x64xf32, #tpu.memory_space<vmem>>, %arg4: memref<32x16x128xf32, #tpu.memory_space<vmem>>) attributes {dimension_semantics = [], scalar_prefetch = 0 : i64, scratch_operands = 0 : i64, tpu.core_type = #tpu.core_type<tc>} {
    %get3A = arith.constant 0 : index
    %get3A_0 = arith.constant 0 : index
    %get3A_1 = vector.load %arg2[%get3A, %get3A_0] : memref<64x128xf32, #tpu.memory_space<vmem>>, vector<64x64xf32>
    %get3A_2 = arith.constant 0 : index
    %get3A_3 = arith.constant 64 : index
    %get3A_4 = vector.load %arg2[%get3A_2, %get3A_3] : memref<64x128xf32, #tpu.memory_space<vmem>>, vector<64x64xf32>
    %get3A_5 = arith.constant 0 : index
    %get3A_6 = arith.constant 0 : index
    %get3A_7 = vector.load %arg0[%get3A_5, %get3A_6] : memref<32x64xf32, #tpu.memory_space<vmem>>, vector<32x64xf32>
    %dot_general3A = arith.constant dense<0.000000e+00> : vector<32x64xf32>
    %dot_general3A_8 = tpu.matmul %get3A_7, %get3A_1, %dot_general3A {dimension_numbers = #tpu.dot_dimension_numbers<[1], [1], [0], [0], [0, 0, 1, 0], [], []>, precision = #tpu.contract_precision<fp32>, transpose_lhs_hint = false} : vector<32x64xf32>, vector<64x64xf32>, vector<32x64xf32> -> vector<32x64xf32>
    %get3A_9 = arith.constant 0 : index
    %get3A_10 = arith.constant 0 : index
    %get3A_11 = vector.load %arg1[%get3A_9, %get3A_10] : memref<16x64xf32, #tpu.memory_space<vmem>>, vector<16x64xf32>
    %dot_general3A_12 = arith.constant dense<0.000000e+00> : vector<16x64xf32>
    %dot_general3A_13 = tpu.matmul %get3A_11, %get3A_4, %dot_general3A_12 {dimension_numbers = #tpu.dot_dimension_numbers<[1], [1], [0], [0], [0, 0, 1, 0], [], []>, precision = #tpu.contract_precision<fp32>, transpose_lhs_hint = false} : vector<16x64xf32>, vector<64x64xf32>, vector<16x64xf32> -> vector<16x64xf32>
    %broadcast_in_dim3A = vector.shape_cast %dot_general3A_8 : vector<32x64xf32> to vector<32x1x64xf32>
    %broadcast_in_dim3A_14 = vector.shape_cast %dot_general3A_13 : vector<16x64xf32> to vector<1x16x64xf32>
    %add3A = vector.broadcast %broadcast_in_dim3A : vector<32x1x64xf32> to vector<32x16x64xf32>
    %add3A_15 = vector.broadcast %broadcast_in_dim3A_14 : vector<1x16x64xf32> to vector<32x16x64xf32>
    %add3A_16 = arith.addf %add3A, %add3A_15 : vector<32x16x64xf32>
    %get3A_17 = arith.constant 0 : index
    %get3A_18 = arith.constant 0 : index
    %get3A_19 = vector.load %arg3[%get3A_17, %get3A_18] : memref<1x64xf32, #tpu.memory_space<vmem>>, vector<1x64xf32>
    %get3A_20 = vector.shape_cast %get3A_19 : vector<1x64xf32> to vector<64xf32>
    %broadcast_in_dim3A_21 = vector.shape_cast %get3A_20 : vector<64xf32> to vector<1x1x64xf32>
    %add3A_22 = vector.broadcast %broadcast_in_dim3A_21 : vector<1x1x64xf32> to vector<32x16x64xf32>
    %add3A_23 = arith.addf %add3A_16, %add3A_22 : vector<32x16x64xf32>
    %broadcast_in_dim3A_24 = arith.constant 0.000000e+00 : f32
    %broadcast_in_dim3A_25 = vector.broadcast %broadcast_in_dim3A_24 : f32 to vector<32x16x64xf32>
    %concatenate3A = tpu.concatenate %add3A_23, %broadcast_in_dim3A_25 in 2 : vector<32x16x64xf32>, vector<32x16x64xf32> -> vector<32x16x128xf32>
    %swap3A = arith.constant 0 : index
    %swap3A_26 = arith.constant 0 : index
    %swap3A_27 = arith.constant 0 : index
    %swap3A_28 = vector.load %arg4[%swap3A, %swap3A_26, %swap3A_27] : memref<32x16x128xf32, #tpu.memory_space<vmem>>, vector<32x16x128xf32>
    tpu.vector_store %arg4[%swap3A, %swap3A_26, %swap3A_27], %concatenate3A {strides = array<i32>} : memref<32x16x128xf32, #tpu.memory_space<vmem>>, vector<32x16x128xf32>,
    return
  }
}

</mosaic_0001>

<sc_bundles>
// kernel: kernel.5.cloned.1.call-start
scs
__scs_entry_jumppad:
0x0: {  	(pc) =	sbr.rel $0x88, $3  }
0x1: {  	(tag) =	ssettag $0x0;
	lr =	simm.s32 $0x1  }
0x2: {  	[smem:$0x3F9B] =	sst lr;
	_ =	strace $0xD0000000  }
0x3: {  	_ = 	snop  }
0x4: {  	_ = 	snop  }
0x5: {  	_ = 	snop  }
0x6: {  	_ = 	snop  }
0x7: {  	_ = 	snop  }
__scs_overlays_trampoline_lowered:
0x8: {  	[smem:$0x3FAA] =	sst s0  }
0x9: {  	[smem:$0x3FAB] =	sst s1  }
0xa: {  	[smem:$0x3FAC] =	sst s2  }
0xb: {  	[smem:$0x3FAD] =	sst s3  }
0xc: {  	[smem:$0x3FAE] =	sst s4  }
0xd: {  	[smem:$0x3FAF] =	sst s5  }
0xe: {  	[smem:$0x3FB0] =	sst s6  }
0xf: {  	[smem:$0x3FB1] =	sst s7  }
0x10: {  	[smem:$0x3FB2] =	sst s8  }
0x11: {  	[smem:$0x3FB3] =	sst s9;
	s0 =	simm.s32 @!p0 $0x0  }
0x12: {  	s1 =	sld [smem:$0x3F99];
	s0 =	simm.s32 @p0 $0x1  }
0x13: {  	[smem:$0x3FB4] =	sst s0;
	s0 =	simm.s32 @!p1 $0x0  }
0x14: {  	s2 =	sld [smem:$0x3F98];
	s0 =	simm.s32 @p1 $0x1  }
0x15: {  	[smem:$0x3FB5] =	sst s0;
	s0 =	simm.s32 @!p2 $0x0  }
0x16: {  	s3 =	sld [smem:$0x3FDB];
	s0 =	simm.s32 @p2 $0x1  }
0x17: {  	s4 =	simm.s32 $0x1BF5;
	[smem:$0x3FB7] =	sst s0  }
0x18: {  	s0 =	sld [smem:$0x3F9A];
	_ =	swait.ge [sflag:s4], $0x0  }
0x19: {  	s7 =	sld [smem:$0x3F9B]  }
0x1a: {  	s8 =	sadd.s32 $0xFFFFE003, lr  }
0x1b: {  	s9 =	sadd.s32 $0xFFFFFEF7, lr;
	s5 =	simm.s32 $0xFFFFFFFF;
	p2 =	slt.u32 s8, $0xFFFFF086  }
0x1c: {  	p1 =	slt.u32 s9, $0xF7A;
	s5 =	simm.s32 @!p2 $0x0  }
0x1d: {  	s5 =	simm.s32 @p1 $0x1;
	p0 =	seq.s32 s7, s2  }
0x1e: {  	s7 =	smul.u32 @!p0 $0xF7A, s2;
	p2 =	seq.s32 @!p0 s5, $0x0  }
0x1f: {  	s9 =	smul.u32 $0xF7A, s1;
	s8 =	simm.s32 @!p0 $0x1BF5;
	p2 =	por !p2, p0  }
0x20: {  	[sflag:s8] =	ssyncset.s32 @!p0 $0xFFFFF086;
	s6 =	sadd.s32 @!p0 s3, s7;
	s7 =	simm.s32 @!p0 $0x108  }
0x21: {  	s3 =	sadd.s32 s3, s9;
	s6 =	sadd.s32 @!p0 $0x88, s6;
	s7 =	simm.s32 @p2 $0x1082  }
0x22: {  	[simem:s7], [sflag:s8] =	dma.local @!p0 [hbm:s6], $0xF7A  }
0x23: {  	s9 =	sor.u32 $0xD0000000, s2;
	s6 =	simm.s32 $0x108;
	_ =	swait.ge @!p0 [sflag:s8], $0x0  }
0x24: {  	s3 =	sadd.s32 $0x88, s3;
	s6 =	simm.s32 @!p1 $0x1082;
	[sflag:s4] =	ssyncset.s32 $0xFFFFF086  }
0x25: {  	[simem:s6], [sflag:s4] =	dma.local [hbm:s3], $0xF7A  }
0x26: {  	[smem:$0x3F9B] =	sst s1;
	(tag) =	ssettag s2;
	_ =	strace s9  }
0x27: {  	s1 =	sld [smem:$0x3FAB]  }
0x28: {  	s2 =	sld [smem:$0x3FAC]  }
0x29: {  	s4 =	sld [smem:$0x3FAE]  }
0x2a: {  	p0 =	seq.s32 s5, $0x0;
	s5 =	sld [smem:$0x3FAF]  }
0x2b: {  	s6 =	sld [smem:$0x3FB0]  }
0x2c: {  	s7 =	sld [smem:$0x3FB1]  }
0x2d: {  	s3 =	simm.s32 $0x108;
	s8 =	sld [smem:$0x3FB2]  }
0x2e: {  	s3 =	simm.s32 @!p0 $0x1082;
	s9 =	sld [smem:$0x3FB3]  }
0x2f: {  	lr =	sadd.s32 s0, s3;
	s0 =	sld [smem:$0x3FAA]  }
0x30: {  	s3 =	sld [smem:$0x3FAD]  }
0x31: {  	[smem:$0x3FB6] =	sst s10  }
0x32: {  	s10 =	sld [smem:$0x3FB4];
	_ =	sdelay $0x3  }
0x33: {  	p0 =	seq.s32 s10, $0x1;
	s10 =	sld [smem:$0x3FB6];
	_ =	sdelay $0x3  }
0x34: {  	[smem:$0x3FB6] =	sst s10  }
0x35: {  	s10 =	sld [smem:$0x3FB5];
	_ =	sdelay $0x3  }
0x36: {  	p1 =	seq.s32 s10, $0x1;
	s10 =	sld [smem:$0x3FB6];
	_ =	sdelay $0x3  }
0x37: {  	[smem:$0x3FB6] =	sst s10  }
0x38: {  	s10 =	sld [smem:$0x3FB7]  }
0x39: {  	_ = 	snop;
	(pc) =	sbr.ind lr, $3  }
0x3a: {  	_ = 	snop  }
0x3b: {  	_ = 	snop  }
0x3c: {  	p2 =	seq.s32 s10, $0x1;
	s10 =	sld [smem:$0x3FB6]  }
0x3d: {  	_ =	shalt  }
0x3e: {  	_ =	shalt  }
0x3f: {  	_ =	shalt  }
0x40: {  	_ =	shalt  }
0x41: {  	_ =	shalt  }
0x42: {  	_ =	shalt  }
0x43: {  	_ =	shalt  }
0x44: {  	_ =	shalt  }
0x45: {  	_ =	shalt  }
0x46: {  	_ =	shalt  }
0x47: {  	_ =	shalt  }
0x48: {  	_ =	shalt  }
0x49: {  	_ =	shalt  }
0x4a: {  	_ =	shalt  }
0x4b: {  	_ =	shalt  }
0x4c: {  	_ =	shalt  }
0x4d: {  	_ =	shalt  }
0x4e: {  	_ =	shalt  }
0x4f: {  	_ =	shalt  }
0x50: {  	_ =	shalt  }
0x51: {  	_ =	shalt  }
0x52: {  	_ =	shalt  }
0x53: {  	_ =	shalt  }
0x54: {  	_ =	shalt  }
0x55: {  	_ =	shalt  }
0x56: {  	_ =	shalt  }
0x57: {  	_ =	shalt  }
0x58: {  	_ =	shalt  }
0x59: {  	_ =	shalt  }
0x5a: {  	_ =	shalt  }
0x5b: {  	_ =	shalt  }
0x5c: {  	_ =	shalt  }
0x5d: {  	_ =	shalt  }
0x5e: {  	_ =	shalt  }
0x5f: {  	_ =	shalt  }
0x60: {  	_ =	shalt  }
0x61: {  	_ =	shalt  }
0x62: {  	_ =	shalt  }
0x63: {  	_ =	shalt  }
0x64: {  	_ =	shalt  }
0x65: {  	_ =	shalt  }
0x66: {  	_ =	shalt  }
0x67: {  	_ =	shalt  }
0x68: {  	_ =	shalt  }
0x69: {  	_ =	shalt  }
0x6a: {  	_ =	shalt  }
0x6b: {  	_ =	shalt  }
0x6c: {  	_ =	shalt  }
0x6d: {  	_ =	shalt  }
0x6e: {  	_ =	shalt  }
0x6f: {  	_ =	shalt  }
0x70: {  	_ =	shalt  }
0x71: {  	_ =	shalt  }
0x72: {  	_ =	shalt  }
0x73: {  	_ =	shalt  }
0x74: {  	_ =	shalt  }
0x75: {  	_ =	shalt  }
0x76: {  	_ =	shalt  }
0x77: {  	_ =	shalt  }
0x78: {  	_ =	shalt  }
0x79: {  	_ =	shalt  }
0x7a: {  	_ =	shalt  }
0x7b: {  	_ =	shalt  }
0x7c: {  	_ =	shalt  }
0x7d: {  	_ =	shalt  }
0x7e: {  	_ =	shalt  }
0x7f: {  	_ =	shalt  }
0x80: {  	_ =	shalt  }
0x81: {  	_ =	shalt  }
0x82: {  	_ =	shalt  }
0x83: {  	_ =	shalt  }
0x84: {  	_ =	shalt  }
0x85: {  	_ =	shalt  }
0x86: {  	_ =	shalt  }
0x87: {  	_ =	shalt  }
.Lfunc_end0:
.L_simem_size_0:
called_computation.1_lowered:
.L_overlay_start_0:
0x88: {  	s2 =	sld [smem:$0x3FD9]  }
0x89: {  	s3 =	sld [smem:$0x3FFE];
	_ =	sdelay $0x1  }
0x8a: {  	s1 =	srdreg.scid  }
0x8b: {  	s0 =	sand.u32 $0x1, s1  }
0x8c: {  	s17 =	sshll.u32 s0, $0xA;
	s2 =	sadd.s32 s3, s2  }
0x8d: {  	s2 =	sadd.s32 s2, s17  }
0x8e: {  	[smem:$0x3FC2] =	sst s2  }
0x8f: {  	_ = 	snop  }
0x90: {  	s2 =	sld [smem:$0x3FD0];
	(tm) =	ssettm $0x1  }
0x91: {  	s18 =	sld [smem:$0x3FFB];
	_ =	sdelay $0x3  }
0x92: {  	_ =	strace s18  }
0x93: {  	s3 =	sld [smem:$0x3FFC];
	_ =	sdelay $0x3  }
0x94: {  	_ =	strace s3  }
0x95: {  	s3 =	sld [smem:$0x3FFD];
	_ =	sdelay $0x3  }
0x96: {  	_ =	strace s3  }
0x97: {  	_ =	strace $0x8FFFFFFF  }
0x98: {  	s19 =	sld [smem:$0x3FDB];
	_ =	sdelay $0x1  }
0x99: {  	s4 =	simm.s32 $_scs_section_size  }
0x9a: {  	s5 =	simm.s32 $_size__tile_overlayer_lowered;
	s6 =	simm.s32 $_tile_overlayer_lowered  }
0x9b: {  	s22 =	simm.s32 $0x1BFF;
	s21 =	sshll.u32 s6, $0x1;
	s3 =	sadd.s32 s4, s19  }
0x9c: {  	s7 =	simm.s32 $0x0;
	s20 =	sshll.u32 s5, $0x1;
	s5 =	sadd.s32 s21, s3  }
0x9d: {  	[timem:s7], [sflag:s22] =	dma.local [hbm:s5], s20  }
0x9e: {  	_ =	swait.ge [sflag:s22], s20  }
0x9f: {  	s4 =	ssub.s32 $0x0, s20;
	[sflag:s22] =	ssyncset.done $0x0  }
0xa0: {  	[sflag:s22] =	ssyncadd.s32 s4;
	_ =	sdelay $0x1  }
0xa1: {  	s23 =	simm.s32 $0x1B8B  }
0xa2: {  	_ =	swait.ge [sflag:s23], $0x1  }
0xa3: {  	[sflag:s23] =	ssyncset.done $0x0  }
0xa4: {  	s25 =	simm.s32 $0x1B8E;
	s24 =	sld [smem:$0x3FFE];
	[sflag:s23] =	ssyncadd.s32 $0xFFFFFFFF  }
0xa5: {  	s26 =	simm.s32 $execute0_lowered;
	[smem:$0x3FD2] =	sst s25  }
0xa6: {  	s5 =	sshll.u32 s26, $0x1;
	_ =	strace $0x80000046;
	[dreg:$0x1] =	wrdreg $0xFFFFFFFF  }
0xa7: {  	s28 =	simm.s32 $_size_execute0_lowered;
	s3 =	sadd.s32 s3, s5;
	[dreg:$0x0] =	wrdreg $0x0  }
0xa8: {  	s5 =	sshll.u32 s28, $0x1;
	[dreg:$0x2] =	wrdreg s3  }
0xa9: {  	[dreg:$0x3] =	wrdreg s5  }
0xaa: {  	[dreg:$0x4] =	wrdreg $0xC0  }
0xab: {  	_ =	task [dreg:s7], $0x5FFFF  }
0xac: {  	[dreg:$0x1] =	wrdreg $0xFFFFFFFF  }
0xad: {  	[dreg:$0x0] =	wrdreg $0x60  }
0xae: {  	[dreg:$0x2] =	wrdreg s24  }
0xaf: {  	[dreg:$0x3] =	wrdreg s2  }
0xb0: {  	[dreg:$0x4] =	wrdreg $0x9  }
0xb1: {  	_ =	task.clear_ibuf [dreg:s7], $0x5FFFF;
	_ =	strace $0x90000046  }
0xb2: {  	s29 =	simm.s32 $0x9;
	_ =	strace $0x80000048  }
0xb3: {  	_ =	swait.ge [sflag:s29], $0x1  }
0xb4: {  	[sflag:s29] =	ssyncadd.s32 $0xFFFFFFFF  }
0xb5: {  	_ =	strace $0x90000048  }
0xb6: {  	_ =	sfence  }
0xb7: {  	s30 =	sld [smem:$0x0];
	_ =	sdelay $0x2  }
0xb8: {  	s31 =	sshll.u32 s1, $0xD;
	s1 =	sshrl.u32 s1, $0x2  }
0xb9: {  	s3 =	sand.u32 $0x4000, s31;
	s1 =	sadd.s32 s1, s30  }
0xba: {  	s0 =	sor.u32 s3, s0;
	s1 =	sshll.u32 s1, $0x11  }
0xbb: {  	s0 =	sor.u32 s1, s0  }
0xbc: {  	s0 =	sadd.s32 $0x8F2B, s0  }
0xbd: {  	[sflag:s0] =	ssyncadd.remote.s32 $0x1  }
0xbe: {  	_ =	sfence.sel $0xFFFF  }
0xbf: {  	[dreg:$0x0] =	wrdreg $0xFFFFFFFF;
	(pc) =	sbr.abs _section_cstart, $3  }
0xc0: {  	[dreg:$0x1] =	wrdreg $0xFFFFFFFF  }
0xc1: {  	_ =	task.clear_ibuf [dreg:s7], $0x2FFFF;
	_ =	strace $0x9FFFFFFF  }
0xc2: {  	(tm) =	ssettm $0x7FFFFFFF  }
0xc3: {  	_ =	shalt  }
tec
execute0_lowered:
.L_overlay_start_1:
0x0: {  	(tag) =	ssettag $0x1  }
0x1: {  	s0 =	rddreg [dreg:$0x0]  }
0x2: {  	s1 =	rddreg [dreg:$0x1]  }
0x3: {  	s3 =	srdreg.scid;
	s4 =	stileid.u32;
	s2 =	simm.s32 $0x0  }
0x4: {  	s11 =	simm.s32 $0x7;
	s12 =	simm.s32 $0x80;
	s13 =	simm.s32 $0x6400  }
0x5: {  	s15 =	simm.s32 $0x100;
	s16 =	simm.s32 $0xE400;
	s17 =	simm.s32 $0x180  }
0x6: {  	s18 =	simm.s32 $0x12400;
	s19 =	simm.s32 $0x1;
	s20 =	simm.s32 $0x16400  }
0x7: {  	s21 =	simm.s32 $0x2;
	s22 =	simm.s32 $0x6;
	s23 =	simm.s32 $0x1A400  }
0x8: {  	s24 =	simm.s32 $0x3;
	s3 =	sand.u32 $0x1, s3;
	s4 =	sshll.u32 s4, $0x1  }
0x9: {  	s25 =	simm.s32 $0x5;
	s26 =	simm.s32 $0x4;
	s4 =	sor.u32 s3, s4  }
0xa: {  	s28 =	simm.s32 $0x0;
	[smem:$0x7FF] =	sst s2;
	s7 =	smul.u32 $0xC80, s4  }
0xb: {  	s5 =	sadd.s32 $0x3600, s0;
	s6 =	ssub.s32 $0x2, s3;
	s4 =	smul.u32 $0xC8, s4  }
0xc: {  	_ =	strace $0x80000047;
	s3 =	sadd.s32 $0x1600, s0;
	s8 =	sshrl.u32 s6, $0x1  }
0xd: {  	s31 =	ssub.s32 s6, s8;
	s6 =	sadd.s32 s1, s7;
	s7 =	sor.u32 $0x1, s4  }
0xe: {  	s8 =	sor.u32 $0x2, s4;
	s9 =	sor.u32 $0x3, s4;
	s10 =	smax.u32 s31, $0x1  }
.LBB2_1:
0xf: {  	[tilespmem:s2], [sflag:$0x7] =	stream.linear.gather [hbm4b:s6+s2], $0x6400, $0x38;
	[tilespmem:$0x1E400] =	vst v63  }
0x10: {  	_ =	swait.ge [sflag:s11], $0x6400  }
0x11: {  	[sflag:s11] =	ssyncset.done $0x0  }
0x12: {  	[sflag:s11] =	ssyncadd.s32 $0xFFFF9C00  }
0x13: {  	[tilespmem:s13], [sflag:$0x1] =	stream.indirect.gather [hbm4b:s3+s12], $0x80, s2, s12, $0xb8;
	[tilespmem:$0x1E400] =	vst v63  }
0x14: {  	s0 =	simm.s32 $0xA400  }
0x15: {  	[tilespmem:s0], [sflag:$0x2] =	stream.indirect.gather [hbm4b:s3+s12], $0x80, s12, s12, $0xb8;
	[tilespmem:$0x1E400] =	vst v63  }
0x16: {  	_ = 	snop  }
0x17: {  	[tilespmem:s16], [sflag:$0x3] =	stream.indirect.gather [hbm4b:s3+s12], $0x80, s15, s12, $0xb8;
	[tilespmem:$0x1E400] =	vst v63  }
0x18: {  	s31 =	simm.s32 $0x0  }
0x19: {  	[tilespmem:s18], [sflag:$0x4] =	stream.indirect.gather [hbm4b:s3+s12], $0x80, s17, s12, $0xb8;
	[tilespmem:$0x1E400] =	vst v63  }
.LBB2_2:
0x1a: {  	_ =	swait.ge [sflag:s19], $0x4000  }
0x1b: {  	p0 =	seq.s32 s31, $0x0;
	[sflag:s19] =	ssyncset.done $0x0  }
0x1c: {  	s0 =	simm.s32 @!p0 $0x5;
	[sflag:s19] =	ssyncadd.s32 $0xFFFFC000  }
0x1d: {  	_ =	swait.ge @!p0 [sflag:s0], $0x4000  }
0x1e: {  	[sflag:s0] =	ssyncset.done @!p0 $0x0  }
0x1f: {  	[sflag:s0] =	ssyncadd.s32 @!p0 $0xFFFFC000;
	s0 =	simm.s32 $0x0  }
0x20: {  	v1 =	vld [tilespmem:s0+$0x6430]  }
0x21: {  	v2 =	vld [tilespmem:s0+$0x6400]  }
0x22: {  	v0 =	vld [tilespmem:s0+$0x6410]  }
0x23: {  	s29 =	sshll.u32 s31, $0x2;
	s30 =	simm.s32 $0x200;
	v3 =	vld [tilespmem:s0+$0x6420]  }
.LBB2_3:
0x24: {  	p1 =	sne.s32 s30, $0xFE00  }
.Ltmp0:
0x25: {  	s1 =	sshra.s32 s30, $0x2;
	s30 =	sadd.s32 $0x200, s30;
	[tilespmem:s0+$0x16430] =	vst v1;
	(pc) =	sbr.rel @p1 .LBB2_3-.Ltmp0, $4  }
0x26: {  	v1 =	vld [tilespmem:s1+$0x6430];
	[tilespmem:s0+$0x16400] =	vst v2  }
0x27: {  	v2 =	vld [tilespmem:s1+$0x6400];
	[tilespmem:s0+$0x16410] =	vst v0  }
0x28: {  	v0 =	vld [tilespmem:s1+$0x6410];
	[tilespmem:s0+$0x16420] =	vst v3;
	s0 =	smov.u32 s1  }
0x29: {  	v3 =	vld [tilespmem:s0+$0x6420]  }
0x2a: {  	p1 =	sne.s32 s31, $0x31  }
.Ltmp1:
0x2b: {  	[tilespmem:s0+$0x16430] =	vst v1;
	(pc) =	sbr.rel @p1 .LBB2_6-.Ltmp1, $4  }
0x2c: {  	s1 =	sadd.s32 s4, s29;
	[tilespmem:s0+$0x16400] =	vst v2  }
0x2d: {  	s1 =	sshll.u32 s1, $0xB;
	[tilespmem:s0+$0x16410] =	vst v0  }
0x2e: {  	s30 =	sadd.s32 s5, s1;
	[tilespmem:s0+$0x16420] =	vst v3  }
0x2f: {  	[hbm4b:s30+s2] =	stream.linear.scatter [tilespmem:s20], [sflag:$0x5], $0x4000, $0x38;
	[tilespmem:$0x1E400] =	vst v63  }
.Ltmp2:
0x30: {  	(pc) =	sbr.rel .LBB2_7-.Ltmp2, $4  }
0x31: {  	_ = 	snop  }
0x32: {  	_ =	swait.ge [sflag:s21], $0x4000  }
0x33: {  	[sflag:s21] =	ssyncset.done $0x0  }
0x34: {  	[sflag:s21] =	ssyncadd.s32 $0xFFFFC000  }
.LBB2_6:
0x35: {  	s0 =	sshll.u32 s31, $0x9  }
0x36: {  	s0 =	sand.u32 $0x3FFFFE00, s0  }
.Ltmp3:
0x37: {  	s0 =	sadd.s32 $0x200, s0;
	(pc) =	sbr.rel @p0 .LBB2_8-.Ltmp3, $4  }
0x38: {  	[tilespmem:s13], [sflag:$0x1] =	stream.indirect.gather [hbm4b:s3+s12], $0x80, s0, s12, $0xb8;
	[tilespmem:$0x1E400] =	vst v63  }
0x39: {  	_ =	swait.ge [sflag:s21], $0x4000  }
0x3a: {  	[sflag:s21] =	ssyncset.done $0x0  }
0x3b: {  	[sflag:s21] =	ssyncadd.s32 $0xFFFFC000  }
.LBB2_7:
0x3c: {  	_ =	swait.ge [sflag:s22], $0x4000  }
0x3d: {  	[sflag:s22] =	ssyncset.done $0x0  }
0x3e: {  	[sflag:s22] =	ssyncadd.s32 $0xFFFFC000  }
.LBB2_8:
0x3f: {  	s0 =	simm.s32 $0x0  }
0x40: {  	v2 =	vld [tilespmem:s0+$0xA430]  }
0x41: {  	v1 =	vld [tilespmem:s0+$0xA400]  }
0x42: {  	v0 =	vld [tilespmem:s0+$0xA410]  }
0x43: {  	s30 =	sadd.s32 $0x1, s31;
	s1 =	simm.s32 $0x200;
	v3 =	vld [tilespmem:s0+$0xA420]  }
.LBB2_9:
0x44: {  	p0 =	sne.s32 s1, $0xFE00  }
.Ltmp4:
0x45: {  	s14 =	sshra.s32 s1, $0x2;
	s1 =	sadd.s32 $0x200, s1;
	[tilespmem:s0+$0x1A430] =	vst v2;
	(pc) =	sbr.rel @p0 .LBB2_9-.Ltmp4, $4  }
0x46: {  	v2 =	vld [tilespmem:s14+$0xA430];
	[tilespmem:s0+$0x1A400] =	vst v1  }
0x47: {  	v1 =	vld [tilespmem:s14+$0xA400];
	[tilespmem:s0+$0x1A410] =	vst v0  }
0x48: {  	v0 =	vld [tilespmem:s14+$0xA410];
	[tilespmem:s0+$0x1A420] =	vst v3;
	s0 =	smov.u32 s14  }
0x49: {  	v3 =	vld [tilespmem:s0+$0xA420]  }
0x4a: {  	_ = 	snop  }
0x4b: {  	s1 =	sadd.s32 s29, s7;
	[tilespmem:s0+$0x1A430] =	vst v2  }
0x4c: {  	s1 =	sshll.u32 s1, $0xB;
	[tilespmem:s0+$0x1A400] =	vst v1  }
0x4d: {  	p0 =	seq.s32 s31, $0x31;
	s1 =	sand.u32 $0x1FFFE800, s1;
	[tilespmem:s0+$0x1A410] =	vst v0  }
0x4e: {  	s14 =	sadd.s32 s5, s1;
	[tilespmem:s0+$0x1A420] =	vst v3;
	s0 =	sshll.u32 @!p0 s31, $0x9  }
0x4f: {  	[hbm4b:s14+s2] =	stream.linear.scatter [tilespmem:s23], [sflag:$0x6], $0x4000, $0x38;
	[tilespmem:$0x1E400] =	vst v63  }
0x50: {  	s31 =	sand.u32 @!p0 $0x3FFFFE00, s0  }
0x51: {  	s1 =	simm.s32 @!p0 $0x80;
	s14 =	simm.s32 @!p0 $0xA400;
	s0 =	sadd.s32 @!p0 $0x280, s31  }
0x52: {  	[tilespmem:s14], [sflag:$0x2] =	stream.indirect.gather @!p0 [hbm4b:s3+s1], $0x80, s0, s1, $0xb8;
	[tilespmem:$0x1E400] =	vst v63  }
0x53: {  	_ =	swait.ge [sflag:s24], $0x4000  }
0x54: {  	[sflag:s24] =	ssyncset.done $0x0  }
0x55: {  	[sflag:s24] =	ssyncadd.s32 $0xFFFFC000  }
0x56: {  	_ =	swait.ge [sflag:s25], $0x4000  }
0x57: {  	[sflag:s25] =	ssyncset.done $0x0  }
0x58: {  	s0 =	simm.s32 $0x0;
	[sflag:s25] =	ssyncadd.s32 $0xFFFFC000  }
0x59: {  	v3 =	vld [tilespmem:s0+$0xE430]  }
0x5a: {  	v1 =	vld [tilespmem:s0+$0xE400]  }
0x5b: {  	v0 =	vld [tilespmem:s0+$0xE410]  }
0x5c: {  	s1 =	simm.s32 $0x200;
	v2 =	vld [tilespmem:s0+$0xE420]  }
.LBB2_11:
0x5d: {  	p1 =	sne.s32 s1, $0xFE00  }
.Ltmp5:
0x5e: {  	s14 =	sshra.s32 s1, $0x2;
	s1 =	sadd.s32 $0x200, s1;
	[tilespmem:s0+$0x16430] =	vst v3;
	(pc) =	sbr.rel @p1 .LBB2_11-.Ltmp5, $4  }
0x5f: {  	v3 =	vld [tilespmem:s14+$0xE430];
	[tilespmem:s0+$0x16400] =	vst v1  }
0x60: {  	v1 =	vld [tilespmem:s14+$0xE400];
	[tilespmem:s0+$0x16410] =	vst v0  }
0x61: {  	v0 =	vld [tilespmem:s14+$0xE410];
	[tilespmem:s0+$0x16420] =	vst v2;
	s0 =	smov.u32 s14  }
0x62: {  	v2 =	vld [tilespmem:s0+$0xE420]  }
0x63: {  	_ = 	snop  }
0x64: {  	s1 =	sadd.s32 s29, s8;
	[tilespmem:s0+$0x16430] =	vst v3  }
0x65: {  	s1 =	sshll.u32 s1, $0xB;
	[tilespmem:s0+$0x16400] =	vst v1  }
0x66: {  	s1 =	sand.u32 $0x1FFFF000, s1;
	[tilespmem:s0+$0x16410] =	vst v0  }
0x67: {  	s14 =	sadd.s32 s5, s1;
	[tilespmem:s0+$0x16420] =	vst v2  }
0x68: {  	[hbm4b:s14+s2] =	stream.linear.scatter [tilespmem:s20], [sflag:$0x5], $0x4000, $0x38;
	[tilespmem:$0x1E400] =	vst v63  }
0x69: {  	s1 =	simm.s32 @!p0 $0x80;
	s0 =	sadd.s32 @!p0 $0x300, s31;
	s14 =	simm.s32 @!p0 $0xE400  }
0x6a: {  	[tilespmem:s14], [sflag:$0x3] =	stream.indirect.gather @!p0 [hbm4b:s3+s1], $0x80, s0, s1, $0xb8;
	[tilespmem:$0x1E400] =	vst v63  }
0x6b: {  	_ =	swait.ge [sflag:s26], $0x4000  }
0x6c: {  	[sflag:s26] =	ssyncset.done $0x0  }
0x6d: {  	[sflag:s26] =	ssyncadd.s32 $0xFFFFC000  }
0x6e: {  	_ =	swait.ge [sflag:s22], $0x4000  }
0x6f: {  	[sflag:s22] =	ssyncset.done $0x0  }
0x70: {  	s0 =	simm.s32 $0x0;
	[sflag:s22] =	ssyncadd.s32 $0xFFFFC000  }
0x71: {  	v3 =	vld [tilespmem:s0+$0x12430]  }
0x72: {  	v1 =	vld [tilespmem:s0+$0x12400]  }
0x73: {  	v0 =	vld [tilespmem:s0+$0x12410]  }
0x74: {  	s1 =	simm.s32 $0x200;
	v2 =	vld [tilespmem:s0+$0x12420]  }
.LBB2_13:
0x75: {  	p1 =	sne.s32 s1, $0xFE00  }
.Ltmp6:
0x76: {  	s14 =	sshra.s32 s1, $0x2;
	s1 =	sadd.s32 $0x200, s1;
	[tilespmem:s0+$0x1A430] =	vst v3;
	(pc) =	sbr.rel @p1 .LBB2_13-.Ltmp6, $4  }
0x77: {  	v3 =	vld [tilespmem:s14+$0x12430];
	[tilespmem:s0+$0x1A400] =	vst v1  }
0x78: {  	v1 =	vld [tilespmem:s14+$0x12400];
	[tilespmem:s0+$0x1A410] =	vst v0  }
0x79: {  	v0 =	vld [tilespmem:s14+$0x12410];
	[tilespmem:s0+$0x1A420] =	vst v2;
	s0 =	smov.u32 s14  }
0x7a: {  	v2 =	vld [tilespmem:s0+$0x12420]  }
0x7b: {  	_ = 	snop  }
0x7c: {  	s1 =	sadd.s32 s29, s9;
	[tilespmem:s0+$0x1A430] =	vst v3  }
0x7d: {  	s1 =	sshll.u32 s1, $0xB;
	[tilespmem:s0+$0x1A400] =	vst v1  }
0x7e: {  	s1 =	sand.u32 $0x1FFFF800, s1;
	[tilespmem:s0+$0x1A410] =	vst v0  }
0x7f: {  	s14 =	simm.s32 @!p0 $0x12400;
	s29 =	sadd.s32 s5, s1;
	[tilespmem:s0+$0x1A420] =	vst v2  }
0x80: {  	[hbm4b:s29+s2] =	stream.linear.scatter [tilespmem:s23], [sflag:$0x6], $0x4000, $0x38;
	[tilespmem:$0x1E400] =	vst v63  }
0x81: {  	p1 =	sne.s32 @!p0 s30, $0x32;
	s1 =	simm.s32 @!p0 $0x80;
	s0 =	sadd.s32 @!p0 $0x380, s31  }
0x82: {  	[tilespmem:s14], [sflag:$0x4] =	stream.indirect.gather @!p0 [hbm4b:s3+s1], $0x80, s0, s1, $0xb8;
	[tilespmem:$0x1E400] =	vst v63  }
0x83: {  	p0 =	por p0, !p1  }
.Ltmp7:
0x84: {  	_ = 	snop;
	(pc) =	sbr.rel @!p0 .LBB2_2-.Ltmp7, $2  }
0x85: {  	_ =	sdelay $0x2  }
0x86: {  	s31 =	smov.u32 s30  }
0x87: {  	s28 =	sadd.s32 $0x1, s28  }
0x88: {  	_ =	swait.ge [sflag:s25], $0x4000;
	p0 =	sne.s32 s28, s10  }
.Ltmp8:
0x89: {  	[sflag:s25] =	ssyncset.done $0x0;
	(pc) =	sbr.rel @p0 .LBB2_1-.Ltmp8, $4  }
0x8a: {  	[sflag:s25] =	ssyncadd.s32 $0xFFFFC000  }
0x8b: {  	_ =	swait.ge [sflag:s22], $0x4000  }
0x8c: {  	[sflag:s22] =	ssyncset.done $0x0  }
0x8d: {  	[sflag:s22] =	ssyncadd.s32 $0xFFFFC000  }
0x8e: {  	_ =	sfence.sel $0x180000  }
0x8f: {  	[bflag:$0x0] =	sbarrier.arrive $0xFFFF  }
0x90: {  	_ =	strace $0x90000047  }
0x91: {  	s0 =	stileid.u32;
	[bflag:$0x2] =	sbarrier.arrive $0xFFFF  }
0x92: {  	p0 =	sne.s32 s0, $0x0;
	s0 =	rddreg [dreg:$0x2]  }
0x93: {  	s0 =	sadd.s32 @!p0 $0x100000, s0  }
0x94: {  	[sflag:s0] =	ssyncadd.tile.s32 @!p0 $0x1;
	_ =	shalt  }
.Lfunc_end2:
_tile_overlayer_lowered:
.L_overlay_start_2:
0x95: {  	(tag) =	ssettag $0x2  }
0x96: {  	s0 =	rddreg [dreg:$0x0];
	s2 =	stileid.u32  }
0x97: {  	s1 =	rddreg [dreg:$0x1];
	p0 =	sne.s32 s2, $0x0  }
0x98: {  	s3 =	rddreg [dreg:$0x2];
	[bflag:$0x3] =	sbarrier.arrive $0xFFFF;
	s2 =	simm.s32 @!p0 $0x1C07  }
0x99: {  	[timem:s3], [sflag:s2] =	dma.local @!p0 [hbm:s0], s1  }
0x9a: {  	s0 =	simm.s32 @!p0 $0x7  }
0x9b: {  	_ =	swait.ge @!p0 [sflag:s0], s1  }
0x9c: {  	s1 =	ssub.s32 @!p0 $0x0, s1;
	[sflag:s0] =	ssyncset.done @!p0 $0x0  }
0x9d: {  	[sflag:s0] =	ssyncadd.s32 @!p0 s1  }
0x9e: {  	[bflag:$0x3] =	sbarrier.arrive $0xFFFF  }
0x9f: {  	_ =	shalt  }

// kernel: sparse-core-data-format-call.cloned.1.call-start
scs
called_computation_lowered:
.L_overlay_start_0:
0x0: {  	s2 =	sld [smem:$0x3FD9]  }
0x1: {  	s3 =	sld [smem:$0x3FFE];
	_ =	sdelay $0x1  }
0x2: {  	s1 =	srdreg.scid  }
0x3: {  	s0 =	sand.u32 $0x1, s1  }
0x4: {  	s18 =	sshll.u32 s0, $0xA;
	s2 =	sadd.s32 s3, s2  }
0x5: {  	s2 =	sadd.s32 s2, s18  }
0x6: {  	[smem:$0x3FC2] =	sst s2  }
0x7: {  	_ = 	snop  }
0x8: {  	s2 =	sld [smem:$0x3FD0];
	(tm) =	ssettm $0x1  }
0x9: {  	s19 =	sld [smem:$0x3FFB];
	_ =	sdelay $0x3  }
0xa: {  	_ =	strace s19  }
0xb: {  	s3 =	sld [smem:$0x3FFC];
	_ =	sdelay $0x3  }
0xc: {  	_ =	strace s3  }
0xd: {  	s3 =	sld [smem:$0x3FFD];
	_ =	sdelay $0x3  }
0xe: {  	_ =	strace s3  }
0xf: {  	_ =	strace $0x8FFFFFFF  }
0x10: {  	s20 =	sld [smem:$0x3FDB];
	_ =	sdelay $0x1  }
0x11: {  	s4 =	simm.s32 $_scs_section_size  }
0x12: {  	s5 =	simm.s32 $_size__tile_overlayer_lowered;
	s6 =	simm.s32 $_tile_overlayer_lowered  }
0x13: {  	s23 =	simm.s32 $0x1BFF;
	s22 =	sshll.u32 s6, $0x1;
	s3 =	sadd.s32 s4, s20  }
0x14: {  	s7 =	simm.s32 $0x0;
	s21 =	sshll.u32 s5, $0x1;
	s5 =	sadd.s32 s22, s3  }
0x15: {  	[timem:s7], [sflag:s23] =	dma.local [hbm:s5], s21  }
0x16: {  	_ =	swait.ge [sflag:s23], s21  }
0x17: {  	s4 =	ssub.s32 $0x0, s21;
	[sflag:s23] =	ssyncset.done $0x0  }
0x18: {  	[sflag:s23] =	ssyncadd.s32 s4;
	_ =	sdelay $0x1  }
0x19: {  	s24 =	simm.s32 $0x1B8B  }
0x1a: {  	_ =	swait.ge [sflag:s24], $0x1  }
0x1b: {  	[sflag:s24] =	ssyncset.done $0x0  }
0x1c: {  	s26 =	simm.s32 $0x1B8E;
	s25 =	sld [smem:$0x3FFE];
	[sflag:s24] =	ssyncadd.s32 $0xFFFFFFFF  }
0x1d: {  	s27 =	simm.s32 $execute0_lowered;
	[smem:$0x3FD2] =	sst s26  }
0x1e: {  	s5 =	sshll.u32 s27, $0x1;
	_ =	strace $0x80000049;
	[dreg:$0x1] =	wrdreg $0xFFFFFFFF  }
0x1f: {  	s28 =	simm.s32 $_size_execute0_lowered;
	s3 =	sadd.s32 s3, s5;
	[dreg:$0x0] =	wrdreg $0x0  }
0x20: {  	s5 =	sshll.u32 s28, $0x1;
	[dreg:$0x2] =	wrdreg s3  }
0x21: {  	[dreg:$0x3] =	wrdreg s5  }
0x22: {  	[dreg:$0x4] =	wrdreg $0xC0  }
0x23: {  	_ =	task [dreg:s7], $0x5FFFF  }
0x24: {  	[dreg:$0x1] =	wrdreg $0xFFFFFFFF  }
0x25: {  	[dreg:$0x0] =	wrdreg $0x60  }
0x26: {  	[dreg:$0x2] =	wrdreg s25  }
0x27: {  	[dreg:$0x3] =	wrdreg s2  }
0x28: {  	[dreg:$0x4] =	wrdreg $0x9  }
0x29: {  	_ =	task.clear_ibuf [dreg:s7], $0x5FFFF;
	_ =	strace $0x90000049  }
0x2a: {  	s29 =	simm.s32 $0x9;
	_ =	strace $0x8000004B  }
0x2b: {  	_ =	swait.ge [sflag:s29], $0x1  }
0x2c: {  	[sflag:s29] =	ssyncadd.s32 $0xFFFFFFFF  }
0x2d: {  	_ =	strace $0x9000004B  }
0x2e: {  	_ =	sfence  }
0x2f: {  	s30 =	sld [smem:$0x0];
	_ =	sdelay $0x2  }
0x30: {  	s31 =	sshll.u32 s1, $0xD;
	s1 =	sshrl.u32 s1, $0x2  }
0x31: {  	s3 =	sand.u32 $0x4000, s31;
	s1 =	sadd.s32 s1, s30  }
0x32: {  	s0 =	sor.u32 s3, s0;
	s1 =	sshll.u32 s1, $0x11  }
0x33: {  	s0 =	sor.u32 s1, s0  }
0x34: {  	s0 =	sadd.s32 $0x8F2B, s0  }
0x35: {  	[sflag:s0] =	ssyncadd.remote.s32 $0x1  }
0x36: {  	_ =	sfence.sel $0xFFFF  }
0x37: {  	[dreg:$0x0] =	wrdreg $0xFFFFFFFF;
	(pc) =	sbr.abs _section_cstart, $3  }
0x38: {  	[dreg:$0x1] =	wrdreg $0xFFFFFFFF  }
0x39: {  	_ =	task.clear_ibuf [dreg:s7], $0x2FFFF;
	_ =	strace $0x9FFFFFFF  }
0x3a: {  	(tm) =	ssettm $0x7FFFFFFF  }
0x3b: {  	_ =	shalt  }
tec
execute0_lowered:
.L_overlay_start_1:
0x0: {  	(tag) =	ssettag $0x1  }
0x1: {  	s0 =	srdreg.scid  }
0x2: {  	s1 =	sshll.u32 s0, $0x4  }
0x3: {  	s0 =	stileid.u32;
	s1 =	sand.u32 $0x10, s1  }
0x4: {  	s1 =	sor.u32 s0, s1  }
0x5: {  	s6 =	rddreg [dreg:$0x0];
	s4 =	simm.s32 $0x1;
	s2 =	sshll.u32 s1, $0x7  }
0x6: {  	s7 =	simm.s32 $0x2;
	s12 =	simm.s32 $0x0;
	s1 =	ssub.s32 $0x1000, s2  }
0x7: {  	s8 =	simm.s32 $0x8000;
	s13 =	simm.s32 $0x0;
	s3 =	sand.u32 $0xF80, s1  }
0x8: {  	s9 =	simm.s32 $0x0;
	s5 =	sshrl.u32 s1, $0xC;
	p0 =	sne.s32 s3, $0x0  }
.Ltmp0:
0x9: {  	s1 =	rddreg [dreg:$0x2];
	s4 =	simm.s32 @!p0 $0x0;
	(pc) =	sbr.rel .LBB1_1-.Ltmp0, $4  }
0xa: {  	s11 =	simm.s32 $0x0;
	s3 =	rddreg [dreg:$0x1];
	s5 =	sadd.s32 s4, s5  }
0xb: {  	_ =	strace $0x8000004A;
	s4 =	simm.s32 $0x1;
	s5 =	smul.u32 $0xC8, s5  }
0xc: {  	s6 =	sadd.s32 $0x3600, s6;
	s10 =	smov.u32 s2;
	[sflag:s4] =	ssyncpa.u1 $0x0  }
0xd: {  	p0 =	por $0x0, $0x0;
	[sflag:s7] =	ssyncpa.u1 $0x0;
	s7 =	sor.u32 $0x1, s5  }
.LBB1_4:
0xe: {  	s16 =	sshll.u32 s13, $0x3;
	s17 =	sand.u32 $0x78, s13  }
0xf: {  	s30 =	sand.u32 $0x7E00, s13;
	s12 =	sshll.u32 s12, $0xF;
	s16 =	sand.u32 $0xC00, s16  }
0x10: {  	[tilespmem:s15+$0x810 ss:$0x81] =	vst.msk $0xffff, v2;
	s31 =	sand.u32 $0x7, s13;
	s16 =	sor.u32 s17, s16;
	s17 =	sadd.s32 s3, s30  }
0x11: {  	[tilespmem:s15+$0x1020 ss:$0x81] =	vst.msk $0xffff, v0;
	s13 =	sshll.u32 s31, $0x12;
	s12 =	sadd.s32 s12, s17;
	s16 =	sshrl.u32 s16, $0x3  }
0x12: {  	[tilespmem:s15+$0x0 ss:$0x81] =	vst.msk $0xffff, v1;
	s13 =	sor.u32 $0x400, s13;
	s12 =	sadd.s32 s16, s12  }
0x13: {  	[hbm4b:s12+s13] =	stream.strided.scatter [tilespmem:s14], [sflag:$0x2], $0x2000, s8, s13, $0x20;
	[tilespmem:$0x8080] =	vst v63  }
.LBB1_5:
0x14: {  	s14 =	sadd.s32 $0x1, s9  }
0x15: {  	s12 =	sadd.s32 $0x1000, s10;
	s16 =	smov.u32 s10;
	p2 =	sgt.s32 s14, $0xC7  }
0x16: {  	s16 =	smov.u32 @p2 s12  }
0x17: {  	s14 =	simm.s32 @p2 $0x0;
	p2 =	sgt.s32 s16, $0xFFF  }
0x18: {  	s16 =	smov.u32 @p2 s2;
	p2 =	sne.s32 s11, s7  }
.Ltmp1:
0x19: {  	p1 =	slt.u32 s11, $0x2;
	(pc) =	sbr.rel @!p2 .LBB1_6-.Ltmp1, $4  }
0x1a: {  	s15 =	simm.s32 @!p1 $0x2  }
0x1b: {  	s13 =	smov.u32 s10;
	p0 =	por !p0, !p0;
	_ =	swait.ge @!p1 [sflag:s15], $0x2000  }
0x1c: {  	s12 =	smov.u32 s9;
	[sflag:s15] =	ssyncset.done @!p1 $0x0;
	s9 =	smov.u32 s14  }
0x1d: {  	s11 =	sadd.s32 $0x1, s11;
	[sflag:s15] =	ssyncadd.s32 @!p1 $0xFFFFE000;
	s10 =	smov.u32 s16  }
.LBB1_1:
0x1e: {  	p1 =	sge.u32 s11, s5  }
0x1f: {  	s14 =	sand.u32 @!p1 $0x1FFFFFF, s9  }
0x20: {  	s15 =	smulhi.u32 @!p1 $0x147AE15, s14;
	_ =	sdelay $0x1  }
0x21: {  	s15 =	smul.u32 @!p1 $0xC8, s15  }
0x22: {  	s16 =	sxor.u32 @!p1 $0xFFFFFFFF, s11;
	s17 =	smul.u32 @!p1 $0xC80, s10  }
0x23: {  	s31 =	sadd.s32 $0xFFFFFFFF, s11;
	s16 =	sshll.u32 @!p1 s16, $0xD;
	s14 =	ssub.s32 @!p1 s14, s15  }
0x24: {  	s15 =	sand.u32 @!p1 $0x2000, s16;
	s16 =	sadd.s32 @!p1 s6, s17;
	s14 =	sshll.u32 @!p1 s14, $0x4  }
0x25: {  	s17 =	simm.s32 @!p1 $0x6400;
	s14 =	sadd.s32 @!p1 s14, s16;
	s16 =	simm.s32 @!p1 $0x40  }
0x26: {  	[tilespmem:s15], [sflag:$0x1] =	stream.strided.gather @!p1 [hbm4b:s14+s16], $0x2000, s17, s16, $0x38;
	[tilespmem:$0x8080] =	vst v63  }
0x27: {  	p1 =	sge.u32 s31, s5  }
.Ltmp2:
0x28: {  	_ = 	snop;
	(pc) =	sbr.rel @p1 .LBB1_5-.Ltmp2, $1  }
0x29: {  	_ =	sdelay $0x3  }
0x2a: {  	s14 =	simm.s32 $0x1  }
0x2b: {  	_ =	swait.ge [sflag:s4], $0x2000;
	s14 =	simm.s32 @!p0 $0x0  }
0x2c: {  	[sflag:s4] =	ssyncset.done $0x0;
	s15 =	sshll.u32 s14, $0xD  }
0x2d: {  	[sflag:s4] =	ssyncadd.s32 $0xFFFFE000;
	s18 =	sor.u32 $0x20, s15  }
0x2e: {  	s14 =	smul.u32 $0x8100, s14;
	v3 =	vld [tilespmem:s18+$0x10]  }
0x2f: {  	s30 =	sand.u32 $0x1, s11;
	v2 =	vld [tilespmem:s18+$0xFFFFFFF0]  }
0x30: {  	s15 =	smul.u32 $0x8100, s30;
	s14 =	sshrl.u32 s14, $0x2;
	v0 =	vld [tilespmem:s18+$0x0]  }
0x31: {  	v1 =	vld [tilespmem:s18+$0xFFFFFFE0];
	s16 =	sor.u32 $0x4000, s14  }
0x32: {  	s31 =	sshrl.u32 s15, $0x2;
	s15 =	sadd.s32 $0x0, s16  }
0x33: {  	s17 =	simm.s32 $0x4;
	s18 =	sadd.s32 $0x40, s18;
	s14 =	sor.u32 $0x4000, s31;
	[tilespmem:s15+$0x1830 ss:$0x81] =	vst.msk $0xffff, v3  }
.LBB1_3:
0x34: {  	v3 =	vld [tilespmem:s18+$0x10];
	p1 =	sne.s32 s17, $0x1FC;
	[tilespmem:s15+$0x810 ss:$0x81] =	vst.msk $0xffff, v2;
	s19 =	smov.u32 s17;
	s17 =	sadd.s32 $0x4, s17  }
.Ltmp3:
0x35: {  	v2 =	vld [tilespmem:s18+$0xFFFFFFF0];
	[tilespmem:s15+$0x1020 ss:$0x81] =	vst.msk $0xffff, v0;
	(pc) =	sbr.rel @p1 .LBB1_3-.Ltmp3, $4  }
0x36: {  	v0 =	vld [tilespmem:s18+$0x0];
	[tilespmem:s15+$0x0 ss:$0x81] =	vst.msk $0xffff, v1  }
0x37: {  	s15 =	sshra.s32 s19, $0x2;
	v1 =	vld [tilespmem:s18+$0xFFFFFFE0]  }
0x38: {  	s15 =	sadd.s32 s15, s16  }
0x39: {  	s18 =	sadd.s32 $0x40, s18;
	[tilespmem:s15+$0x1830 ss:$0x81] =	vst.msk $0xffff, v3  }
.Ltmp4:
0x3a: {  	_ = 	snop;
	(pc) =	sbr.rel .LBB1_4-.Ltmp4, $1  }
0x3b: {  	_ =	sdelay $0x3  }
.LBB1_6:
0x3c: {  	_ =	sfence.sel $0x180000  }
0x3d: {  	s2 =	simm.s32 $0x1;
	[bflag:$0x0] =	sbarrier.arrive $0xFFFF  }
0x3e: {  	s31 =	simm.s32 $0x2;
	[sflag:s2] =	ssyncpa.u1 $0x1  }
0x3f: {  	[sflag:s31] =	ssyncpa.u1 $0x1  }
0x40: {  	p0 =	sne.s32 s0, $0x0;
	_ =	strace $0x9000004A  }
0x41: {  	s0 =	sadd.s32 @!p0 $0x100000, s1;
	[bflag:$0x2] =	sbarrier.arrive $0xFFFF  }
0x42: {  	[sflag:s0] =	ssyncadd.tile.s32 @!p0 $0x1;
	_ =	shalt  }
.Lfunc_end1:
_tile_overlayer_lowered:
.L_overlay_start_2:
0x43: {  	(tag) =	ssettag $0x2  }
0x44: {  	s0 =	rddreg [dreg:$0x0];
	s2 =	stileid.u32  }
0x45: {  	s1 =	rddreg [dreg:$0x1];
	p0 =	sne.s32 s2, $0x0  }
0x46: {  	s3 =	rddreg [dreg:$0x2];
	[bflag:$0x3] =	sbarrier.arrive $0xFFFF;
	s2 =	simm.s32 @!p0 $0x1C01  }
0x47: {  	[timem:s3], [sflag:s2] =	dma.local @!p0 [hbm:s0], s1  }
0x48: {  	s0 =	simm.s32 @!p0 $0x1  }
0x49: {  	_ =	swait.ge @!p0 [sflag:s0], s1  }
0x4a: {  	s1 =	ssub.s32 @!p0 $0x0, s1;
	[sflag:s0] =	ssyncset.done @!p0 $0x0  }
0x4b: {  	[sflag:s0] =	ssyncadd.s32 @!p0 s1  }
0x4c: {  	[bflag:$0x3] =	sbarrier.arrive $0xFFFF  }
0x4d: {  	_ =	shalt  }

</sc_bundles>
